<compile_context>
chip_gen: v7x
topology: tpu7x:2x2x1
jax: 0.10.2.dev20260603
libtpu: 0.0.44.dev20260713+nightly
codegen_flags: <defaults>
</compile_context>

<pallas_src>
import jax
import jax.numpy as jnp
import numpy as np
from jax import lax
from jax.experimental import pallas as pl
from jax.experimental.pallas import tpu as pltpu
from jax.experimental.pallas import tpu_sc as plsc

_NUM_USERS = 1000000
_EMB = 128
_LAT = 64
_BATCH = 16384

_SEC = 8192
_MAJ = 4 * _SEC
_NBLK = -(-_NUM_USERS // _MAJ)
_ROWS = _NBLK * _SEC
_LS = _SEC.bit_length() - 1
_LM = _MAJ.bit_length() - 1


def _placement_mats():
    e = np.zeros((8, _LAT, 128), np.float32)
    for k in range(4):
        for w in range(32):
            e[2 * k, w, 32 * k + w] = 1.0
            e[2 * k + 1, 32 + w, 32 * k + w] = 1.0
    return jnp.asarray(e)


def _repack_body(x_ref, e_ref, out_ref):
    dn = (((0,), (0,)), ((), ()))
    acc1 = None
    acc2 = None
    for k in range(4):
        x = x_ref[:, k * _SEC:(k + 1) * _SEC]
        t1 = lax.dot_general(x, e_ref[2 * k], dn,
                             precision=lax.Precision.DEFAULT,
                             preferred_element_type=jnp.float32)
        t2 = lax.dot_general(x, e_ref[2 * k + 1], dn,
                             precision=lax.Precision.DEFAULT,
                             preferred_element_type=jnp.float32)
        acc1 = t1 if acc1 is None else acc1 + t1
        acc2 = t2 if acc2 is None else acc2 + t2
    word = lax.bitcast_convert_type(acc1, jnp.int32) | \
        lax.shift_right_logical(lax.bitcast_convert_type(acc2, jnp.int32), 16)
    out_ref[...] = lax.bitcast_convert_type(word, jnp.float32)


def _repack_table(table_t, emats):
    return pl.pallas_call(
        _repack_body,
        grid=(_NBLK,),
        in_specs=[
            pl.BlockSpec((_LAT, _MAJ), lambda i: (0, i)),
            pl.BlockSpec((8, _LAT, 128), lambda i: (0, 0, 0)),
        ],
        out_specs=pl.BlockSpec((_SEC, 128), lambda i: (i, 0)),
        out_shape=jax.ShapeDtypeStruct((_ROWS, 128), jnp.float32),
        compiler_params=pltpu.CompilerParams(
            vmem_limit_bytes=100 * 1024 * 1024),
    )(table_t, emats)


_NC, _NS = 2, 16
_NW = _NC * _NS
_BPW = _BATCH // _NW
_CHUNK = 128
_NCH = _BPW // _CHUNK


def _gather_body(tp_hbm, idx_hbm, out_hbm, idx_v, pidx_v, g_v, sem):
    wid = lax.axis_index("s") * _NC + lax.axis_index("c")
    base = wid * _BPW
    pltpu.sync_copy(idx_hbm.at[pl.ds(base, _BPW)], idx_v)
    for j in range(_NCH):
        for g in range(_CHUNK // 16):
            s = pl.ds(j * _CHUNK + g * 16, 16)
            u = idx_v[s]
            r = lax.shift_left(lax.shift_right_logical(u, _LM), _LS) | \
                (u & (_SEC - 1))
            pidx_v[j, pl.ds(g * 16, 16)] = r
    copies = [
        pltpu.async_copy(tp_hbm.at[pidx_v.at[j]], g_v.at[j], sem)
        for j in range(_NCH)
    ]
    for j in range(_NCH):
        copies[j].wait()
        pltpu.sync_copy(g_v.at[j],
                        out_hbm.at[pl.ds(base + j * _CHUNK, _CHUNK)])


_sc_gather = pl.kernel(
    _gather_body,
    out_type=jax.ShapeDtypeStruct((_BATCH, 128), jnp.float32),
    mesh=plsc.VectorSubcoreMesh(core_axis_name="c", subcore_axis_name="s"),
    scratch_types=[
        pltpu.VMEM((_BPW,), jnp.int32),
        pltpu.VMEM((_NCH, _CHUNK), jnp.int32),
        pltpu.VMEM((_NCH, _CHUNK, 128), jnp.float32),
        pltpu.SemaphoreType.DMA,
    ],
)

_BLK = 4096


def _combine_body(emb_ref, w2_ref, b2_ref, g_ref, idx_ref, out_ref):
    v2 = jnp.dot(emb_ref[...], w2_ref[...],
                 preferred_element_type=jnp.float32,
                 precision=lax.Precision.DEFAULT) + b2_ref[...]
    vh = v2[:, :128]
    vl = v2[:, 128:]
    gbits = lax.bitcast_convert_type(g_ref[...], jnp.int32)
    u_hi = lax.bitcast_convert_type(gbits & jnp.int32(-65536), jnp.float32)
    u_lo = lax.bitcast_convert_type(gbits << 16, jnp.float32)
    idx = idx_ref[...]
    s = (idx & (_MAJ - 1)) >> _LS
    laneq = lax.broadcasted_iota(jnp.int32, (_BLK, 128), 1) >> 5
    m = jnp.where(laneq == s, 1.0, 0.0)
    prod = (u_hi * vh + u_lo * vl) * m
    ones = jnp.ones((1, 128), jnp.float32)
    srow = lax.dot_general(ones, prod, (((1,), (1,)), ((), ())),
                           precision=lax.Precision.HIGHEST,
                           preferred_element_type=jnp.float32)
    out_ref[...] = srow[None]


def _tc_combine(g_rows, idx2, item_emb, w2, b2):
    out = pl.pallas_call(
        _combine_body,
        grid=(_BATCH // _BLK,),
        in_specs=[
            pl.BlockSpec((_BLK, _EMB), lambda i: (i, 0)),
            pl.BlockSpec((_EMB, 256), lambda i: (0, 0)),
            pl.BlockSpec((1, 256), lambda i: (0, 0)),
            pl.BlockSpec((_BLK, 128), lambda i: (i, 0)),
            pl.BlockSpec((_BLK, 1), lambda i: (i, 0)),
        ],
        out_specs=pl.BlockSpec((1, 1, _BLK), lambda i: (i, 0, 0)),
        out_shape=jax.ShapeDtypeStruct((_BATCH // _BLK, 1, _BLK), jnp.float32),
    )(item_emb, w2, b2, g_rows, idx2)
    return out.reshape(-1)


def kernel(user_idx, item_emb, user_table, W, b):
    idx = user_idx.astype(jnp.int32)
    table_packed = _repack_table(user_table.T, _placement_mats())
    g_rows = _sc_gather(table_packed, idx)
    idx2 = idx.reshape(_BATCH, 1)
    wh = jnp.tile(W[:, :32], (1, 4))
    wl = jnp.tile(W[:, 32:], (1, 4))
    w2 = jnp.concatenate([wh, wl], axis=1)
    b2 = jnp.concatenate([jnp.tile(b[:32], 4),
                          jnp.tile(b[32:], 4)]).reshape(1, 256)
    return _tc_combine(g_rows, idx2, item_emb, w2, b2)

# --- scband reference (transcript-rebuilt; emitter-appended) ---
"""Pipeline reference for scband-mfrec-model-10153302688265 (READ-ONLY COPY).

The authoritative reference and input builder live on the scoring server;
editing this copy changes nothing except your own understanding.
"""

import jax, jax.numpy as jnp
import numpy as np

NUM_USERS = 1000000
EMB_DIM = 128
LATENT_DIM = 64
BATCH = 16384

def setup_inputs(seed: int = 0) -> dict:
    key = jax.random.key(seed)
    k1, k2, k3, k4, k5 = jax.random.split(key, 5)
    user_idx = jax.random.randint(k1, (BATCH,), 0, NUM_USERS, dtype=jnp.int64 if jax.config.jax_enable_x64 else jnp.int32)
    item_emb = jax.random.normal(k2, (BATCH, EMB_DIM), dtype=jnp.float32)
    # Learned params: nn.Embedding default init N(0,1); nn.Linear default uniform(-1/sqrt(fan_in), 1/sqrt(fan_in))
    user_table = jax.random.normal(k3, (NUM_USERS, LATENT_DIM), dtype=jnp.float32)
    bound = 1.0 / np.sqrt(EMB_DIM)
    W = jax.random.uniform(k4, (EMB_DIM, LATENT_DIM), minval=-bound, maxval=bound, dtype=jnp.float32)
    b = jax.random.uniform(k5, (LATENT_DIM,), minval=-bound, maxval=bound, dtype=jnp.float32)
    return {"user_idx": user_idx, "item_emb": item_emb, "user_table": user_table, "W": W, "b": b}

def reference(user_idx, item_emb, user_table, W, b):
    # u = self.user_emb(user_idx)
    u = jnp.take(user_table, user_idx, axis=0)
    # v = self.item_proj(item_emb)
    v = item_emb @ W + b
    # logit = (u * v).sum(dim=-1)
    logit = jnp.sum(u * v, axis=-1)
    return logit

if __name__ == "__main__":
    import jax
    _d = setup_inputs()
    print(jax.jit(kernel)(*tuple(_d.values())))

</pallas_src>

<mosaic_0001>
#map = affine_map<(d0, d1) -> (0, 0)>
#map1 = affine_map<(d0, d1) -> (0)>
module attributes {stable_mosaic.version = 14 : i64} {
  func.func @_gather_body(%arg0: i32, %arg1: i32, %arg2: memref<253952x128xf32, #tpu.memory_space<hbm>>, %arg3: memref<16384xi32, #tpu.memory_space<hbm>>, %arg4: memref<16384x128xf32, #tpu.memory_space<hbm>>, %arg5: memref<512xi32, #tpu.memory_space<vmem>>, %arg6: memref<4x128xi32, #tpu.memory_space<vmem>>, %arg7: memref<4x128x128xf32, #tpu.memory_space<vmem>>, %arg8: memref<!tpu.dma_semaphore, #tpu.memory_space<semaphore_mem>>) attributes {dimension_semantics = [#tpu.dimension_semantics<core_parallel>, #tpu.dimension_semantics<subcore_parallel>], iteration_bounds = array<i64: 2, 16>, scalar_prefetch = 0 : i64, scratch_operands = 4 : i64, tpu.core_type = #tpu.core_type<sc_vector_subcore>, window_params = [{transform_indices = #map}, {transform_indices = #map1}, {transform_indices = #map}]} {
    %mul3A = arith.constant 2 : i32
    %mul3A_0 = arith.muli %arg1, %mul3A : i32
    %add3A = arith.addi %mul3A_0, %arg0 : i32
    %mul3A_1 = arith.constant 512 : i32
    %mul3A_2 = arith.muli %add3A, %mul3A_1 : i32
    "tpu.region"() ({
      %run_scoped3A_710 = tpu.sem_alloc : memref<!tpu.dma_semaphore, #tpu.memory_space<semaphore_mem>>
      %dma_start3A_711 = tpu.memref_slice %arg3[%mul3A_2] : memref<16384xi32, #tpu.memory_space<hbm>> -> memref<512xi32, #tpu.memory_space<hbm>>
      %dma_start3A_712 = tpu.memref_slice %arg3[%mul3A_2] : memref<16384xi32, #tpu.memory_space<hbm>> -> memref<512xi32, #tpu.memory_space<hbm>>
      tpu.enqueue_dma source(%dma_start3A_712 : memref<512xi32, #tpu.memory_space<hbm>>) target(%arg5 : memref<512xi32, #tpu.memory_space<vmem>>) target_semaphore(%run_scoped3A_710 : memref<!tpu.dma_semaphore, #tpu.memory_space<semaphore_mem>>)
      %dma_wait3A_713 = tpu.memref_slice %arg3[%mul3A_2] : memref<16384xi32, #tpu.memory_space<hbm>> -> memref<512xi32, #tpu.memory_space<hbm>>
      %dma_wait3A_714 = tpu.memref_slice %arg3[%mul3A_2] : memref<16384xi32, #tpu.memory_space<hbm>> -> memref<512xi32, #tpu.memory_space<hbm>>
      tpu.wait_dma2 semaphore(%run_scoped3A_710 : memref<!tpu.dma_semaphore, #tpu.memory_space<semaphore_mem>>) src(%dma_wait3A_714 : memref<512xi32, #tpu.memory_space<hbm>>) dst(%arg5 : memref<512xi32, #tpu.memory_space<vmem>>)
      tpu.yield
    }) : () -> ()
    %get3A = arith.constant 0 : index
    %get3A_3 = tpu.vector_load %arg5[%get3A] {strides = array<i32>} : memref<512xi32, #tpu.memory_space<vmem>>, vector<16xi32>,
    %get3A_4 = vector.shape_cast %get3A_3 : vector<16xi32> to vector<16xi32>
    %shift_right_logical3A = arith.constant 15 : i32
    %shift_right_logical3A_5 = vector.broadcast %shift_right_logical3A : i32 to vector<16xi32>
    %shift_right_logical3A_6 = arith.shrui %get3A_4, %shift_right_logical3A_5 : vector<16xi32>
    %shift_left3A = arith.constant 13 : i32
    %shift_left3A_7 = vector.broadcast %shift_left3A : i32 to vector<16xi32>
    %shift_left3A_8 = arith.shli %shift_right_logical3A_6, %shift_left3A_7 : vector<16xi32>
    %and3A = arith.constant 8191 : i32
    %and3A_9 = vector.broadcast %and3A : i32 to vector<16xi32>
    %and3A_10 = arith.andi %get3A_4, %and3A_9 : vector<16xi32>
    %or3A = arith.ori %shift_left3A_8, %and3A_10 : vector<16xi32>
    %swap3A = arith.constant 0 : i32
    %swap3A_11 = arith.index_cast %swap3A : i32 to index
    %swap3A_12 = arith.constant 0 : index
    %swap3A_13 = tpu.vector_load %arg6[%swap3A_11, %swap3A_12] {strides = array<i32>} : memref<4x128xi32, #tpu.memory_space<vmem>>, vector<1x16xi32>,
    %swap3A_14 = vector.shape_cast %swap3A_13 : vector<1x16xi32> to vector<16xi32>
    %swap3A_15 = vector.shape_cast %or3A : vector<16xi32> to vector<1x16xi32>
    tpu.vector_store %arg6[%swap3A_11, %swap3A_12], %swap3A_15 {strides = array<i32>} : memref<4x128xi32, #tpu.memory_space<vmem>>, vector<1x16xi32>,
    %get3A_16 = arith.constant 16 : index
    %get3A_17 = tpu.vector_load %arg5[%get3A_16] {strides = array<i32>} : memref<512xi32, #tpu.memory_space<vmem>>, vector<16xi32>,
    %get3A_18 = vector.shape_cast %get3A_17 : vector<16xi32> to vector<16xi32>
    %shift_right_logical3A_19 = arith.constant 15 : i32
    %shift_right_logical3A_20 = vector.broadcast %shift_right_logical3A_19 : i32 to vector<16xi32>
    %shift_right_logical3A_21 = arith.shrui %get3A_18, %shift_right_logical3A_20 : vector<16xi32>
    %shift_left3A_22 = arith.constant 13 : i32
    %shift_left3A_23 = vector.broadcast %shift_left3A_22 : i32 to vector<16xi32>
    %shift_left3A_24 = arith.shli %shift_right_logical3A_21, %shift_left3A_23 : vector<16xi32>
    %and3A_25 = arith.constant 8191 : i32
    %and3A_26 = vector.broadcast %and3A_25 : i32 to vector<16xi32>
    %and3A_27 = arith.andi %get3A_18, %and3A_26 : vector<16xi32>
    %or3A_28 = arith.ori %shift_left3A_24, %and3A_27 : vector<16xi32>
    %swap3A_29 = arith.constant 0 : i32
    %swap3A_30 = arith.index_cast %swap3A_29 : i32 to index
    %swap3A_31 = arith.constant 16 : index
    %swap3A_32 = tpu.vector_load %arg6[%swap3A_30, %swap3A_31] {strides = array<i32>} : memref<4x128xi32, #tpu.memory_space<vmem>>, vector<1x16xi32>,
    %swap3A_33 = vector.shape_cast %swap3A_32 : vector<1x16xi32> to vector<16xi32>
    %swap3A_34 = vector.shape_cast %or3A_28 : vector<16xi32> to vector<1x16xi32>
    tpu.vector_store %arg6[%swap3A_30, %swap3A_31], %swap3A_34 {strides = array<i32>} : memref<4x128xi32, #tpu.memory_space<vmem>>, vector<1x16xi32>,
    %get3A_35 = arith.constant 32 : index
    %get3A_36 = tpu.vector_load %arg5[%get3A_35] {strides = array<i32>} : memref<512xi32, #tpu.memory_space<vmem>>, vector<16xi32>,
    %get3A_37 = vector.shape_cast %get3A_36 : vector<16xi32> to vector<16xi32>
    %shift_right_logical3A_38 = arith.constant 15 : i32
    %shift_right_logical3A_39 = vector.broadcast %shift_right_logical3A_38 : i32 to vector<16xi32>
    %shift_right_logical3A_40 = arith.shrui %get3A_37, %shift_right_logical3A_39 : vector<16xi32>
    %shift_left3A_41 = arith.constant 13 : i32
    %shift_left3A_42 = vector.broadcast %shift_left3A_41 : i32 to vector<16xi32>
    %shift_left3A_43 = arith.shli %shift_right_logical3A_40, %shift_left3A_42 : vector<16xi32>
    %and3A_44 = arith.constant 8191 : i32
    %and3A_45 = vector.broadcast %and3A_44 : i32 to vector<16xi32>
    %and3A_46 = arith.andi %get3A_37, %and3A_45 : vector<16xi32>
    %or3A_47 = arith.ori %shift_left3A_43, %and3A_46 : vector<16xi32>
    %swap3A_48 = arith.constant 0 : i32
    %swap3A_49 = arith.index_cast %swap3A_48 : i32 to index
    %swap3A_50 = arith.constant 32 : index
    %swap3A_51 = tpu.vector_load %arg6[%swap3A_49, %swap3A_50] {strides = array<i32>} : memref<4x128xi32, #tpu.memory_space<vmem>>, vector<1x16xi32>,
    %swap3A_52 = vector.shape_cast %swap3A_51 : vector<1x16xi32> to vector<16xi32>
    %swap3A_53 = vector.shape_cast %or3A_47 : vector<16xi32> to vector<1x16xi32>
    tpu.vector_store %arg6[%swap3A_49, %swap3A_50], %swap3A_53 {strides = array<i32>} : memref<4x128xi32, #tpu.memory_space<vmem>>, vector<1x16xi32>,
    %get3A_54 = arith.constant 48 : index
    %get3A_55 = tpu.vector_load %arg5[%get3A_54] {strides = array<i32>} : memref<512xi32, #tpu.memory_space<vmem>>, vector<16xi32>,
    %get3A_56 = vector.shape_cast %get3A_55 : vector<16xi32> to vector<16xi32>
    %shift_right_logical3A_57 = arith.constant 15 : i32
    %shift_right_logical3A_58 = vector.broadcast %shift_right_logical3A_57 : i32 to vector<16xi32>
    %shift_right_logical3A_59 = arith.shrui %get3A_56, %shift_right_logical3A_58 : vector<16xi32>
    %shift_left3A_60 = arith.constant 13 : i32
    %shift_left3A_61 = vector.broadcast %shift_left3A_60 : i32 to vector<16xi32>
    %shift_left3A_62 = arith.shli %shift_right_logical3A_59, %shift_left3A_61 : vector<16xi32>
    %and3A_63 = arith.constant 8191 : i32
    %and3A_64 = vector.broadcast %and3A_63 : i32 to vector<16xi32>
    %and3A_65 = arith.andi %get3A_56, %and3A_64 : vector<16xi32>
    %or3A_66 = arith.ori %shift_left3A_62, %and3A_65 : vector<16xi32>
    %swap3A_67 = arith.constant 0 : i32
    %swap3A_68 = arith.index_cast %swap3A_67 : i32 to index
    %swap3A_69 = arith.constant 48 : index
    %swap3A_70 = tpu.vector_load %arg6[%swap3A_68, %swap3A_69] {strides = array<i32>} : memref<4x128xi32, #tpu.memory_space<vmem>>, vector<1x16xi32>,
    %swap3A_71 = vector.shape_cast %swap3A_70 : vector<1x16xi32> to vector<16xi32>
    %swap3A_72 = vector.shape_cast %or3A_66 : vector<16xi32> to vector<1x16xi32>
    tpu.vector_store %arg6[%swap3A_68, %swap3A_69], %swap3A_72 {strides = array<i32>} : memref<4x128xi32, #tpu.memory_space<vmem>>, vector<1x16xi32>,
    %get3A_73 = arith.constant 64 : index
    %get3A_74 = tpu.vector_load %arg5[%get3A_73] {strides = array<i32>} : memref<512xi32, #tpu.memory_space<vmem>>, vector<16xi32>,
    %get3A_75 = vector.shape_cast %get3A_74 : vector<16xi32> to vector<16xi32>
    %shift_right_logical3A_76 = arith.constant 15 : i32
    %shift_right_logical3A_77 = vector.broadcast %shift_right_logical3A_76 : i32 to vector<16xi32>
    %shift_right_logical3A_78 = arith.shrui %get3A_75, %shift_right_logical3A_77 : vector<16xi32>
    %shift_left3A_79 = arith.constant 13 : i32
    %shift_left3A_80 = vector.broadcast %shift_left3A_79 : i32 to vector<16xi32>
    %shift_left3A_81 = arith.shli %shift_right_logical3A_78, %shift_left3A_80 : vector<16xi32>
    %and3A_82 = arith.constant 8191 : i32
    %and3A_83 = vector.broadcast %and3A_82 : i32 to vector<16xi32>
    %and3A_84 = arith.andi %get3A_75, %and3A_83 : vector<16xi32>
    %or3A_85 = arith.ori %shift_left3A_81, %and3A_84 : vector<16xi32>
    %swap3A_86 = arith.constant 0 : i32
    %swap3A_87 = arith.index_cast %swap3A_86 : i32 to index
    %swap3A_88 = arith.constant 64 : index
    %swap3A_89 = tpu.vector_load %arg6[%swap3A_87, %swap3A_88] {strides = array<i32>} : memref<4x128xi32, #tpu.memory_space<vmem>>, vector<1x16xi32>,
    %swap3A_90 = vector.shape_cast %swap3A_89 : vector<1x16xi32> to vector<16xi32>
    %swap3A_91 = vector.shape_cast %or3A_85 : vector<16xi32> to vector<1x16xi32>
    tpu.vector_store %arg6[%swap3A_87, %swap3A_88], %swap3A_91 {strides = array<i32>} : memref<4x128xi32, #tpu.memory_space<vmem>>, vector<1x16xi32>,
    %get3A_92 = arith.constant 80 : index
    %get3A_93 = tpu.vector_load %arg5[%get3A_92] {strides = array<i32>} : memref<512xi32, #tpu.memory_space<vmem>>, vector<16xi32>,
    %get3A_94 = vector.shape_cast %get3A_93 : vector<16xi32> to vector<16xi32>
    %shift_right_logical3A_95 = arith.constant 15 : i32
    %shift_right_logical3A_96 = vector.broadcast %shift_right_logical3A_95 : i32 to vector<16xi32>
    %shift_right_logical3A_97 = arith.shrui %get3A_94, %shift_right_logical3A_96 : vector<16xi32>
    %shift_left3A_98 = arith.constant 13 : i32
    %shift_left3A_99 = vector.broadcast %shift_left3A_98 : i32 to vector<16xi32>
    %shift_left3A_100 = arith.shli %shift_right_logical3A_97, %shift_left3A_99 : vector<16xi32>
    %and3A_101 = arith.constant 8191 : i32
    %and3A_102 = vector.broadcast %and3A_101 : i32 to vector<16xi32>
    %and3A_103 = arith.andi %get3A_94, %and3A_102 : vector<16xi32>
    %or3A_104 = arith.ori %shift_left3A_100, %and3A_103 : vector<16xi32>
    %swap3A_105 = arith.constant 0 : i32
    %swap3A_106 = arith.index_cast %swap3A_105 : i32 to index
    %swap3A_107 = arith.constant 80 : index
    %swap3A_108 = tpu.vector_load %arg6[%swap3A_106, %swap3A_107] {strides = array<i32>} : memref<4x128xi32, #tpu.memory_space<vmem>>, vector<1x16xi32>,
    %swap3A_109 = vector.shape_cast %swap3A_108 : vector<1x16xi32> to vector<16xi32>
    %swap3A_110 = vector.shape_cast %or3A_104 : vector<16xi32> to vector<1x16xi32>
    tpu.vector_store %arg6[%swap3A_106, %swap3A_107], %swap3A_110 {strides = array<i32>} : memref<4x128xi32, #tpu.memory_space<vmem>>, vector<1x16xi32>,
    %get3A_111 = arith.constant 96 : index
    %get3A_112 = tpu.vector_load %arg5[%get3A_111] {strides = array<i32>} : memref<512xi32, #tpu.memory_space<vmem>>, vector<16xi32>,
    %get3A_113 = vector.shape_cast %get3A_112 : vector<16xi32> to vector<16xi32>
    %shift_right_logical3A_114 = arith.constant 15 : i32
    %shift_right_logical3A_115 = vector.broadcast %shift_right_logical3A_114 : i32 to vector<16xi32>
    %shift_right_logical3A_116 = arith.shrui %get3A_113, %shift_right_logical3A_115 : vector<16xi32>
    %shift_left3A_117 = arith.constant 13 : i32
    %shift_left3A_118 = vector.broadcast %shift_left3A_117 : i32 to vector<16xi32>
    %shift_left3A_119 = arith.shli %shift_right_logical3A_116, %shift_left3A_118 : vector<16xi32>
    %and3A_120 = arith.constant 8191 : i32
    %and3A_121 = vector.broadcast %and3A_120 : i32 to vector<16xi32>
    %and3A_122 = arith.andi %get3A_113, %and3A_121 : vector<16xi32>
    %or3A_123 = arith.ori %shift_left3A_119, %and3A_122 : vector<16xi32>
    %swap3A_124 = arith.constant 0 : i32
    %swap3A_125 = arith.index_cast %swap3A_124 : i32 to index
    %swap3A_126 = arith.constant 96 : index
    %swap3A_127 = tpu.vector_load %arg6[%swap3A_125, %swap3A_126] {strides = array<i32>} : memref<4x128xi32, #tpu.memory_space<vmem>>, vector<1x16xi32>,
    %swap3A_128 = vector.shape_cast %swap3A_127 : vector<1x16xi32> to vector<16xi32>
    %swap3A_129 = vector.shape_cast %or3A_123 : vector<16xi32> to vector<1x16xi32>
    tpu.vector_store %arg6[%swap3A_125, %swap3A_126], %swap3A_129 {strides = array<i32>} : memref<4x128xi32, #tpu.memory_space<vmem>>, vector<1x16xi32>,
    %get3A_130 = arith.constant 112 : index
    %get3A_131 = tpu.vector_load %arg5[%get3A_130] {strides = array<i32>} : memref<512xi32, #tpu.memory_space<vmem>>, vector<16xi32>,
    %get3A_132 = vector.shape_cast %get3A_131 : vector<16xi32> to vector<16xi32>
    %shift_right_logical3A_133 = arith.constant 15 : i32
    %shift_right_logical3A_134 = vector.broadcast %shift_right_logical3A_133 : i32 to vector<16xi32>
    %shift_right_logical3A_135 = arith.shrui %get3A_132, %shift_right_logical3A_134 : vector<16xi32>
    %shift_left3A_136 = arith.constant 13 : i32
    %shift_left3A_137 = vector.broadcast %shift_left3A_136 : i32 to vector<16xi32>
    %shift_left3A_138 = arith.shli %shift_right_logical3A_135, %shift_left3A_137 : vector<16xi32>
    %and3A_139 = arith.constant 8191 : i32
    %and3A_140 = vector.broadcast %and3A_139 : i32 to vector<16xi32>
    %and3A_141 = arith.andi %get3A_132, %and3A_140 : vector<16xi32>
    %or3A_142 = arith.ori %shift_left3A_138, %and3A_141 : vector<16xi32>
    %swap3A_143 = arith.constant 0 : i32
    %swap3A_144 = arith.index_cast %swap3A_143 : i32 to index
    %swap3A_145 = arith.constant 112 : index
    %swap3A_146 = tpu.vector_load %arg6[%swap3A_144, %swap3A_145] {strides = array<i32>} : memref<4x128xi32, #tpu.memory_space<vmem>>, vector<1x16xi32>,
    %swap3A_147 = vector.shape_cast %swap3A_146 : vector<1x16xi32> to vector<16xi32>
    %swap3A_148 = vector.shape_cast %or3A_142 : vector<16xi32> to vector<1x16xi32>
    tpu.vector_store %arg6[%swap3A_144, %swap3A_145], %swap3A_148 {strides = array<i32>} : memref<4x128xi32, #tpu.memory_space<vmem>>, vector<1x16xi32>,
    %get3A_149 = arith.constant 128 : index
    %get3A_150 = tpu.vector_load %arg5[%get3A_149] {strides = array<i32>} : memref<512xi32, #tpu.memory_space<vmem>>, vector<16xi32>,
    %get3A_151 = vector.shape_cast %get3A_150 : vector<16xi32> to vector<16xi32>
    %shift_right_logical3A_152 = arith.constant 15 : i32
    %shift_right_logical3A_153 = vector.broadcast %shift_right_logical3A_152 : i32 to vector<16xi32>
    %shift_right_logical3A_154 = arith.shrui %get3A_151, %shift_right_logical3A_153 : vector<16xi32>
    %shift_left3A_155 = arith.constant 13 : i32
    %shift_left3A_156 = vector.broadcast %shift_left3A_155 : i32 to vector<16xi32>
    %shift_left3A_157 = arith.shli %shift_right_logical3A_154, %shift_left3A_156 : vector<16xi32>
    %and3A_158 = arith.constant 8191 : i32
    %and3A_159 = vector.broadcast %and3A_158 : i32 to vector<16xi32>
    %and3A_160 = arith.andi %get3A_151, %and3A_159 : vector<16xi32>
    %or3A_161 = arith.ori %shift_left3A_157, %and3A_160 : vector<16xi32>
    %swap3A_162 = arith.constant 1 : i32
    %swap3A_163 = arith.index_cast %swap3A_162 : i32 to index
    %swap3A_164 = arith.constant 0 : index
    %swap3A_165 = tpu.vector_load %arg6[%swap3A_163, %swap3A_164] {strides = array<i32>} : memref<4x128xi32, #tpu.memory_space<vmem>>, vector<1x16xi32>,
    %swap3A_166 = vector.shape_cast %swap3A_165 : vector<1x16xi32> to vector<16xi32>
    %swap3A_167 = vector.shape_cast %or3A_161 : vector<16xi32> to vector<1x16xi32>
    tpu.vector_store %arg6[%swap3A_163, %swap3A_164], %swap3A_167 {strides = array<i32>} : memref<4x128xi32, #tpu.memory_space<vmem>>, vector<1x16xi32>,
    %get3A_168 = arith.constant 144 : index
    %get3A_169 = tpu.vector_load %arg5[%get3A_168] {strides = array<i32>} : memref<512xi32, #tpu.memory_space<vmem>>, vector<16xi32>,
    %get3A_170 = vector.shape_cast %get3A_169 : vector<16xi32> to vector<16xi32>
    %shift_right_logical3A_171 = arith.constant 15 : i32
    %shift_right_logical3A_172 = vector.broadcast %shift_right_logical3A_171 : i32 to vector<16xi32>
    %shift_right_logical3A_173 = arith.shrui %get3A_170, %shift_right_logical3A_172 : vector<16xi32>
    %shift_left3A_174 = arith.constant 13 : i32
    %shift_left3A_175 = vector.broadcast %shift_left3A_174 : i32 to vector<16xi32>
    %shift_left3A_176 = arith.shli %shift_right_logical3A_173, %shift_left3A_175 : vector<16xi32>
    %and3A_177 = arith.constant 8191 : i32
    %and3A_178 = vector.broadcast %and3A_177 : i32 to vector<16xi32>
    %and3A_179 = arith.andi %get3A_170, %and3A_178 : vector<16xi32>
    %or3A_180 = arith.ori %shift_left3A_176, %and3A_179 : vector<16xi32>
    %swap3A_181 = arith.constant 1 : i32
    %swap3A_182 = arith.index_cast %swap3A_181 : i32 to index
    %swap3A_183 = arith.constant 16 : index
    %swap3A_184 = tpu.vector_load %arg6[%swap3A_182, %swap3A_183] {strides = array<i32>} : memref<4x128xi32, #tpu.memory_space<vmem>>, vector<1x16xi32>,
    %swap3A_185 = vector.shape_cast %swap3A_184 : vector<1x16xi32> to vector<16xi32>
    %swap3A_186 = vector.shape_cast %or3A_180 : vector<16xi32> to vector<1x16xi32>
    tpu.vector_store %arg6[%swap3A_182, %swap3A_183], %swap3A_186 {strides = array<i32>} : memref<4x128xi32, #tpu.memory_space<vmem>>, vector<1x16xi32>,
    %get3A_187 = arith.constant 160 : index
    %get3A_188 = tpu.vector_load %arg5[%get3A_187] {strides = array<i32>} : memref<512xi32, #tpu.memory_space<vmem>>, vector<16xi32>,
    %get3A_189 = vector.shape_cast %get3A_188 : vector<16xi32> to vector<16xi32>
    %shift_right_logical3A_190 = arith.constant 15 : i32
    %shift_right_logical3A_191 = vector.broadcast %shift_right_logical3A_190 : i32 to vector<16xi32>
    %shift_right_logical3A_192 = arith.shrui %get3A_189, %shift_right_logical3A_191 : vector<16xi32>
    %shift_left3A_193 = arith.constant 13 : i32
    %shift_left3A_194 = vector.broadcast %shift_left3A_193 : i32 to vector<16xi32>
    %shift_left3A_195 = arith.shli %shift_right_logical3A_192, %shift_left3A_194 : vector<16xi32>
    %and3A_196 = arith.constant 8191 : i32
    %and3A_197 = vector.broadcast %and3A_196 : i32 to vector<16xi32>
    %and3A_198 = arith.andi %get3A_189, %and3A_197 : vector<16xi32>
    %or3A_199 = arith.ori %shift_left3A_195, %and3A_198 : vector<16xi32>
    %swap3A_200 = arith.constant 1 : i32
    %swap3A_201 = arith.index_cast %swap3A_200 : i32 to index
    %swap3A_202 = arith.constant 32 : index
    %swap3A_203 = tpu.vector_load %arg6[%swap3A_201, %swap3A_202] {strides = array<i32>} : memref<4x128xi32, #tpu.memory_space<vmem>>, vector<1x16xi32>,
    %swap3A_204 = vector.shape_cast %swap3A_203 : vector<1x16xi32> to vector<16xi32>
    %swap3A_205 = vector.shape_cast %or3A_199 : vector<16xi32> to vector<1x16xi32>
    tpu.vector_store %arg6[%swap3A_201, %swap3A_202], %swap3A_205 {strides = array<i32>} : memref<4x128xi32, #tpu.memory_space<vmem>>, vector<1x16xi32>,
    %get3A_206 = arith.constant 176 : index
    %get3A_207 = tpu.vector_load %arg5[%get3A_206] {strides = array<i32>} : memref<512xi32, #tpu.memory_space<vmem>>, vector<16xi32>,
    %get3A_208 = vector.shape_cast %get3A_207 : vector<16xi32> to vector<16xi32>
    %shift_right_logical3A_209 = arith.constant 15 : i32
    %shift_right_logical3A_210 = vector.broadcast %shift_right_logical3A_209 : i32 to vector<16xi32>
    %shift_right_logical3A_211 = arith.shrui %get3A_208, %shift_right_logical3A_210 : vector<16xi32>
    %shift_left3A_212 = arith.constant 13 : i32
    %shift_left3A_213 = vector.broadcast %shift_left3A_212 : i32 to vector<16xi32>
    %shift_left3A_214 = arith.shli %shift_right_logical3A_211, %shift_left3A_213 : vector<16xi32>
    %and3A_215 = arith.constant 8191 : i32
    %and3A_216 = vector.broadcast %and3A_215 : i32 to vector<16xi32>
    %and3A_217 = arith.andi %get3A_208, %and3A_216 : vector<16xi32>
    %or3A_218 = arith.ori %shift_left3A_214, %and3A_217 : vector<16xi32>
    %swap3A_219 = arith.constant 1 : i32
    %swap3A_220 = arith.index_cast %swap3A_219 : i32 to index
    %swap3A_221 = arith.constant 48 : index
    %swap3A_222 = tpu.vector_load %arg6[%swap3A_220, %swap3A_221] {strides = array<i32>} : memref<4x128xi32, #tpu.memory_space<vmem>>, vector<1x16xi32>,
    %swap3A_223 = vector.shape_cast %swap3A_222 : vector<1x16xi32> to vector<16xi32>
    %swap3A_224 = vector.shape_cast %or3A_218 : vector<16xi32> to vector<1x16xi32>
    tpu.vector_store %arg6[%swap3A_220, %swap3A_221], %swap3A_224 {strides = array<i32>} : memref<4x128xi32, #tpu.memory_space<vmem>>, vector<1x16xi32>,
    %get3A_225 = arith.constant 192 : index
    %get3A_226 = tpu.vector_load %arg5[%get3A_225] {strides = array<i32>} : memref<512xi32, #tpu.memory_space<vmem>>, vector<16xi32>,
    %get3A_227 = vector.shape_cast %get3A_226 : vector<16xi32> to vector<16xi32>
    %shift_right_logical3A_228 = arith.constant 15 : i32
    %shift_right_logical3A_229 = vector.broadcast %shift_right_logical3A_228 : i32 to vector<16xi32>
    %shift_right_logical3A_230 = arith.shrui %get3A_227, %shift_right_logical3A_229 : vector<16xi32>
    %shift_left3A_231 = arith.constant 13 : i32
    %shift_left3A_232 = vector.broadcast %shift_left3A_231 : i32 to vector<16xi32>
    %shift_left3A_233 = arith.shli %shift_right_logical3A_230, %shift_left3A_232 : vector<16xi32>
    %and3A_234 = arith.constant 8191 : i32
    %and3A_235 = vector.broadcast %and3A_234 : i32 to vector<16xi32>
    %and3A_236 = arith.andi %get3A_227, %and3A_235 : vector<16xi32>
    %or3A_237 = arith.ori %shift_left3A_233, %and3A_236 : vector<16xi32>
    %swap3A_238 = arith.constant 1 : i32
    %swap3A_239 = arith.index_cast %swap3A_238 : i32 to index
    %swap3A_240 = arith.constant 64 : index
    %swap3A_241 = tpu.vector_load %arg6[%swap3A_239, %swap3A_240] {strides = array<i32>} : memref<4x128xi32, #tpu.memory_space<vmem>>, vector<1x16xi32>,
    %swap3A_242 = vector.shape_cast %swap3A_241 : vector<1x16xi32> to vector<16xi32>
    %swap3A_243 = vector.shape_cast %or3A_237 : vector<16xi32> to vector<1x16xi32>
    tpu.vector_store %arg6[%swap3A_239, %swap3A_240], %swap3A_243 {strides = array<i32>} : memref<4x128xi32, #tpu.memory_space<vmem>>, vector<1x16xi32>,
    %get3A_244 = arith.constant 208 : index
    %get3A_245 = tpu.vector_load %arg5[%get3A_244] {strides = array<i32>} : memref<512xi32, #tpu.memory_space<vmem>>, vector<16xi32>,
    %get3A_246 = vector.shape_cast %get3A_245 : vector<16xi32> to vector<16xi32>
    %shift_right_logical3A_247 = arith.constant 15 : i32
    %shift_right_logical3A_248 = vector.broadcast %shift_right_logical3A_247 : i32 to vector<16xi32>
    %shift_right_logical3A_249 = arith.shrui %get3A_246, %shift_right_logical3A_248 : vector<16xi32>
    %shift_left3A_250 = arith.constant 13 : i32
    %shift_left3A_251 = vector.broadcast %shift_left3A_250 : i32 to vector<16xi32>
    %shift_left3A_252 = arith.shli %shift_right_logical3A_249, %shift_left3A_251 : vector<16xi32>
    %and3A_253 = arith.constant 8191 : i32
    %and3A_254 = vector.broadcast %and3A_253 : i32 to vector<16xi32>
    %and3A_255 = arith.andi %get3A_246, %and3A_254 : vector<16xi32>
    %or3A_256 = arith.ori %shift_left3A_252, %and3A_255 : vector<16xi32>
    %swap3A_257 = arith.constant 1 : i32
    %swap3A_258 = arith.index_cast %swap3A_257 : i32 to index
    %swap3A_259 = arith.constant 80 : index
    %swap3A_260 = tpu.vector_load %arg6[%swap3A_258, %swap3A_259] {strides = array<i32>} : memref<4x128xi32, #tpu.memory_space<vmem>>, vector<1x16xi32>,
    %swap3A_261 = vector.shape_cast %swap3A_260 : vector<1x16xi32> to vector<16xi32>
    %swap3A_262 = vector.shape_cast %or3A_256 : vector<16xi32> to vector<1x16xi32>
    tpu.vector_store %arg6[%swap3A_258, %swap3A_259], %swap3A_262 {strides = array<i32>} : memref<4x128xi32, #tpu.memory_space<vmem>>, vector<1x16xi32>,
    %get3A_263 = arith.constant 224 : index
    %get3A_264 = tpu.vector_load %arg5[%get3A_263] {strides = array<i32>} : memref<512xi32, #tpu.memory_space<vmem>>, vector<16xi32>,
    %get3A_265 = vector.shape_cast %get3A_264 : vector<16xi32> to vector<16xi32>
    %shift_right_logical3A_266 = arith.constant 15 : i32
    %shift_right_logical3A_267 = vector.broadcast %shift_right_logical3A_266 : i32 to vector<16xi32>
    %shift_right_logical3A_268 = arith.shrui %get3A_265, %shift_right_logical3A_267 : vector<16xi32>
    %shift_left3A_269 = arith.constant 13 : i32
    %shift_left3A_270 = vector.broadcast %shift_left3A_269 : i32 to vector<16xi32>
    %shift_left3A_271 = arith.shli %shift_right_logical3A_268, %shift_left3A_270 : vector<16xi32>
    %and3A_272 = arith.constant 8191 : i32
    %and3A_273 = vector.broadcast %and3A_272 : i32 to vector<16xi32>
    %and3A_274 = arith.andi %get3A_265, %and3A_273 : vector<16xi32>
    %or3A_275 = arith.ori %shift_left3A_271, %and3A_274 : vector<16xi32>
    %swap3A_276 = arith.constant 1 : i32
    %swap3A_277 = arith.index_cast %swap3A_276 : i32 to index
    %swap3A_278 = arith.constant 96 : index
    %swap3A_279 = tpu.vector_load %arg6[%swap3A_277, %swap3A_278] {strides = array<i32>} : memref<4x128xi32, #tpu.memory_space<vmem>>, vector<1x16xi32>,
    %swap3A_280 = vector.shape_cast %swap3A_279 : vector<1x16xi32> to vector<16xi32>
    %swap3A_281 = vector.shape_cast %or3A_275 : vector<16xi32> to vector<1x16xi32>
    tpu.vector_store %arg6[%swap3A_277, %swap3A_278], %swap3A_281 {strides = array<i32>} : memref<4x128xi32, #tpu.memory_space<vmem>>, vector<1x16xi32>,
    %get3A_282 = arith.constant 240 : index
    %get3A_283 = tpu.vector_load %arg5[%get3A_282] {strides = array<i32>} : memref<512xi32, #tpu.memory_space<vmem>>, vector<16xi32>,
    %get3A_284 = vector.shape_cast %get3A_283 : vector<16xi32> to vector<16xi32>
    %shift_right_logical3A_285 = arith.constant 15 : i32
    %shift_right_logical3A_286 = vector.broadcast %shift_right_logical3A_285 : i32 to vector<16xi32>
    %shift_right_logical3A_287 = arith.shrui %get3A_284, %shift_right_logical3A_286 : vector<16xi32>
    %shift_left3A_288 = arith.constant 13 : i32
    %shift_left3A_289 = vector.broadcast %shift_left3A_288 : i32 to vector<16xi32>
    %shift_left3A_290 = arith.shli %shift_right_logical3A_287, %shift_left3A_289 : vector<16xi32>
    %and3A_291 = arith.constant 8191 : i32
    %and3A_292 = vector.broadcast %and3A_291 : i32 to vector<16xi32>
    %and3A_293 = arith.andi %get3A_284, %and3A_292 : vector<16xi32>
    %or3A_294 = arith.ori %shift_left3A_290, %and3A_293 : vector<16xi32>
    %swap3A_295 = arith.constant 1 : i32
    %swap3A_296 = arith.index_cast %swap3A_295 : i32 to index
    %swap3A_297 = arith.constant 112 : index
    %swap3A_298 = tpu.vector_load %arg6[%swap3A_296, %swap3A_297] {strides = array<i32>} : memref<4x128xi32, #tpu.memory_space<vmem>>, vector<1x16xi32>,
    %swap3A_299 = vector.shape_cast %swap3A_298 : vector<1x16xi32> to vector<16xi32>
    %swap3A_300 = vector.shape_cast %or3A_294 : vector<16xi32> to vector<1x16xi32>
    tpu.vector_store %arg6[%swap3A_296, %swap3A_297], %swap3A_300 {strides = array<i32>} : memref<4x128xi32, #tpu.memory_space<vmem>>, vector<1x16xi32>,
    %get3A_301 = arith.constant 256 : index
    %get3A_302 = tpu.vector_load %arg5[%get3A_301] {strides = array<i32>} : memref<512xi32, #tpu.memory_space<vmem>>, vector<16xi32>,
    %get3A_303 = vector.shape_cast %get3A_302 : vector<16xi32> to vector<16xi32>
    %shift_right_logical3A_304 = arith.constant 15 : i32
    %shift_right_logical3A_305 = vector.broadcast %shift_right_logical3A_304 : i32 to vector<16xi32>
    %shift_right_logical3A_306 = arith.shrui %get3A_303, %shift_right_logical3A_305 : vector<16xi32>
    %shift_left3A_307 = arith.constant 13 : i32
    %shift_left3A_308 = vector.broadcast %shift_left3A_307 : i32 to vector<16xi32>
    %shift_left3A_309 = arith.shli %shift_right_logical3A_306, %shift_left3A_308 : vector<16xi32>
    %and3A_310 = arith.constant 8191 : i32
    %and3A_311 = vector.broadcast %and3A_310 : i32 to vector<16xi32>
    %and3A_312 = arith.andi %get3A_303, %and3A_311 : vector<16xi32>
    %or3A_313 = arith.ori %shift_left3A_309, %and3A_312 : vector<16xi32>
    %swap3A_314 = arith.constant 2 : i32
    %swap3A_315 = arith.index_cast %swap3A_314 : i32 to index
    %swap3A_316 = arith.constant 0 : index
    %swap3A_317 = tpu.vector_load %arg6[%swap3A_315, %swap3A_316] {strides = array<i32>} : memref<4x128xi32, #tpu.memory_space<vmem>>, vector<1x16xi32>,
    %swap3A_318 = vector.shape_cast %swap3A_317 : vector<1x16xi32> to vector<16xi32>
    %swap3A_319 = vector.shape_cast %or3A_313 : vector<16xi32> to vector<1x16xi32>
    tpu.vector_store %arg6[%swap3A_315, %swap3A_316], %swap3A_319 {strides = array<i32>} : memref<4x128xi32, #tpu.memory_space<vmem>>, vector<1x16xi32>,
    %get3A_320 = arith.constant 272 : index
    %get3A_321 = tpu.vector_load %arg5[%get3A_320] {strides = array<i32>} : memref<512xi32, #tpu.memory_space<vmem>>, vector<16xi32>,
    %get3A_322 = vector.shape_cast %get3A_321 : vector<16xi32> to vector<16xi32>
    %shift_right_logical3A_323 = arith.constant 15 : i32
    %shift_right_logical3A_324 = vector.broadcast %shift_right_logical3A_323 : i32 to vector<16xi32>
    %shift_right_logical3A_325 = arith.shrui %get3A_322, %shift_right_logical3A_324 : vector<16xi32>
    %shift_left3A_326 = arith.constant 13 : i32
    %shift_left3A_327 = vector.broadcast %shift_left3A_326 : i32 to vector<16xi32>
    %shift_left3A_328 = arith.shli %shift_right_logical3A_325, %shift_left3A_327 : vector<16xi32>
    %and3A_329 = arith.constant 8191 : i32
    %and3A_330 = vector.broadcast %and3A_329 : i32 to vector<16xi32>
    %and3A_331 = arith.andi %get3A_322, %and3A_330 : vector<16xi32>
    %or3A_332 = arith.ori %shift_left3A_328, %and3A_331 : vector<16xi32>
    %swap3A_333 = arith.constant 2 : i32
    %swap3A_334 = arith.index_cast %swap3A_333 : i32 to index
    %swap3A_335 = arith.constant 16 : index
    %swap3A_336 = tpu.vector_load %arg6[%swap3A_334, %swap3A_335] {strides = array<i32>} : memref<4x128xi32, #tpu.memory_space<vmem>>, vector<1x16xi32>,
    %swap3A_337 = vector.shape_cast %swap3A_336 : vector<1x16xi32> to vector<16xi32>
    %swap3A_338 = vector.shape_cast %or3A_332 : vector<16xi32> to vector<1x16xi32>
    tpu.vector_store %arg6[%swap3A_334, %swap3A_335], %swap3A_338 {strides = array<i32>} : memref<4x128xi32, #tpu.memory_space<vmem>>, vector<1x16xi32>,
    %get3A_339 = arith.constant 288 : index
    %get3A_340 = tpu.vector_load %arg5[%get3A_339] {strides = array<i32>} : memref<512xi32, #tpu.memory_space<vmem>>, vector<16xi32>,
    %get3A_341 = vector.shape_cast %get3A_340 : vector<16xi32> to vector<16xi32>
    %shift_right_logical3A_342 = arith.constant 15 : i32
    %shift_right_logical3A_343 = vector.broadcast %shift_right_logical3A_342 : i32 to vector<16xi32>
    %shift_right_logical3A_344 = arith.shrui %get3A_341, %shift_right_logical3A_343 : vector<16xi32>
    %shift_left3A_345 = arith.constant 13 : i32
    %shift_left3A_346 = vector.broadcast %shift_left3A_345 : i32 to vector<16xi32>
    %shift_left3A_347 = arith.shli %shift_right_logical3A_344, %shift_left3A_346 : vector<16xi32>
    %and3A_348 = arith.constant 8191 : i32
    %and3A_349 = vector.broadcast %and3A_348 : i32 to vector<16xi32>
    %and3A_350 = arith.andi %get3A_341, %and3A_349 : vector<16xi32>
    %or3A_351 = arith.ori %shift_left3A_347, %and3A_350 : vector<16xi32>
    %swap3A_352 = arith.constant 2 : i32
    %swap3A_353 = arith.index_cast %swap3A_352 : i32 to index
    %swap3A_354 = arith.constant 32 : index
    %swap3A_355 = tpu.vector_load %arg6[%swap3A_353, %swap3A_354] {strides = array<i32>} : memref<4x128xi32, #tpu.memory_space<vmem>>, vector<1x16xi32>,
    %swap3A_356 = vector.shape_cast %swap3A_355 : vector<1x16xi32> to vector<16xi32>
    %swap3A_357 = vector.shape_cast %or3A_351 : vector<16xi32> to vector<1x16xi32>
    tpu.vector_store %arg6[%swap3A_353, %swap3A_354], %swap3A_357 {strides = array<i32>} : memref<4x128xi32, #tpu.memory_space<vmem>>, vector<1x16xi32>,
    %get3A_358 = arith.constant 304 : index
    %get3A_359 = tpu.vector_load %arg5[%get3A_358] {strides = array<i32>} : memref<512xi32, #tpu.memory_space<vmem>>, vector<16xi32>,
    %get3A_360 = vector.shape_cast %get3A_359 : vector<16xi32> to vector<16xi32>
    %shift_right_logical3A_361 = arith.constant 15 : i32
    %shift_right_logical3A_362 = vector.broadcast %shift_right_logical3A_361 : i32 to vector<16xi32>
    %shift_right_logical3A_363 = arith.shrui %get3A_360, %shift_right_logical3A_362 : vector<16xi32>
    %shift_left3A_364 = arith.constant 13 : i32
    %shift_left3A_365 = vector.broadcast %shift_left3A_364 : i32 to vector<16xi32>
    %shift_left3A_366 = arith.shli %shift_right_logical3A_363, %shift_left3A_365 : vector<16xi32>
    %and3A_367 = arith.constant 8191 : i32
    %and3A_368 = vector.broadcast %and3A_367 : i32 to vector<16xi32>
    %and3A_369 = arith.andi %get3A_360, %and3A_368 : vector<16xi32>
    %or3A_370 = arith.ori %shift_left3A_366, %and3A_369 : vector<16xi32>
    %swap3A_371 = arith.constant 2 : i32
    %swap3A_372 = arith.index_cast %swap3A_371 : i32 to index
    %swap3A_373 = arith.constant 48 : index
    %swap3A_374 = tpu.vector_load %arg6[%swap3A_372, %swap3A_373] {strides = array<i32>} : memref<4x128xi32, #tpu.memory_space<vmem>>, vector<1x16xi32>,
    %swap3A_375 = vector.shape_cast %swap3A_374 : vector<1x16xi32> to vector<16xi32>
    %swap3A_376 = vector.shape_cast %or3A_370 : vector<16xi32> to vector<1x16xi32>
    tpu.vector_store %arg6[%swap3A_372, %swap3A_373], %swap3A_376 {strides = array<i32>} : memref<4x128xi32, #tpu.memory_space<vmem>>, vector<1x16xi32>,
    %get3A_377 = arith.constant 320 : index
    %get3A_378 = tpu.vector_load %arg5[%get3A_377] {strides = array<i32>} : memref<512xi32, #tpu.memory_space<vmem>>, vector<16xi32>,
    %get3A_379 = vector.shape_cast %get3A_378 : vector<16xi32> to vector<16xi32>
    %shift_right_logical3A_380 = arith.constant 15 : i32
    %shift_right_logical3A_381 = vector.broadcast %shift_right_logical3A_380 : i32 to vector<16xi32>
    %shift_right_logical3A_382 = arith.shrui %get3A_379, %shift_right_logical3A_381 : vector<16xi32>
    %shift_left3A_383 = arith.constant 13 : i32
    %shift_left3A_384 = vector.broadcast %shift_left3A_383 : i32 to vector<16xi32>
    %shift_left3A_385 = arith.shli %shift_right_logical3A_382, %shift_left3A_384 : vector<16xi32>
    %and3A_386 = arith.constant 8191 : i32
    %and3A_387 = vector.broadcast %and3A_386 : i32 to vector<16xi32>
    %and3A_388 = arith.andi %get3A_379, %and3A_387 : vector<16xi32>
    %or3A_389 = arith.ori %shift_left3A_385, %and3A_388 : vector<16xi32>
    %swap3A_390 = arith.constant 2 : i32
    %swap3A_391 = arith.index_cast %swap3A_390 : i32 to index
    %swap3A_392 = arith.constant 64 : index
    %swap3A_393 = tpu.vector_load %arg6[%swap3A_391, %swap3A_392] {strides = array<i32>} : memref<4x128xi32, #tpu.memory_space<vmem>>, vector<1x16xi32>,
    %swap3A_394 = vector.shape_cast %swap3A_393 : vector<1x16xi32> to vector<16xi32>
    %swap3A_395 = vector.shape_cast %or3A_389 : vector<16xi32> to vector<1x16xi32>
    tpu.vector_store %arg6[%swap3A_391, %swap3A_392], %swap3A_395 {strides = array<i32>} : memref<4x128xi32, #tpu.memory_space<vmem>>, vector<1x16xi32>,
    %get3A_396 = arith.constant 336 : index
    %get3A_397 = tpu.vector_load %arg5[%get3A_396] {strides = array<i32>} : memref<512xi32, #tpu.memory_space<vmem>>, vector<16xi32>,
    %get3A_398 = vector.shape_cast %get3A_397 : vector<16xi32> to vector<16xi32>
    %shift_right_logical3A_399 = arith.constant 15 : i32
    %shift_right_logical3A_400 = vector.broadcast %shift_right_logical3A_399 : i32 to vector<16xi32>
    %shift_right_logical3A_401 = arith.shrui %get3A_398, %shift_right_logical3A_400 : vector<16xi32>
    %shift_left3A_402 = arith.constant 13 : i32
    %shift_left3A_403 = vector.broadcast %shift_left3A_402 : i32 to vector<16xi32>
    %shift_left3A_404 = arith.shli %shift_right_logical3A_401, %shift_left3A_403 : vector<16xi32>
    %and3A_405 = arith.constant 8191 : i32
    %and3A_406 = vector.broadcast %and3A_405 : i32 to vector<16xi32>
    %and3A_407 = arith.andi %get3A_398, %and3A_406 : vector<16xi32>
    %or3A_408 = arith.ori %shift_left3A_404, %and3A_407 : vector<16xi32>
    %swap3A_409 = arith.constant 2 : i32
    %swap3A_410 = arith.index_cast %swap3A_409 : i32 to index
    %swap3A_411 = arith.constant 80 : index
    %swap3A_412 = tpu.vector_load %arg6[%swap3A_410, %swap3A_411] {strides = array<i32>} : memref<4x128xi32, #tpu.memory_space<vmem>>, vector<1x16xi32>,
    %swap3A_413 = vector.shape_cast %swap3A_412 : vector<1x16xi32> to vector<16xi32>
    %swap3A_414 = vector.shape_cast %or3A_408 : vector<16xi32> to vector<1x16xi32>
    tpu.vector_store %arg6[%swap3A_410, %swap3A_411], %swap3A_414 {strides = array<i32>} : memref<4x128xi32, #tpu.memory_space<vmem>>, vector<1x16xi32>,
    %get3A_415 = arith.constant 352 : index
    %get3A_416 = tpu.vector_load %arg5[%get3A_415] {strides = array<i32>} : memref<512xi32, #tpu.memory_space<vmem>>, vector<16xi32>,
    %get3A_417 = vector.shape_cast %get3A_416 : vector<16xi32> to vector<16xi32>
    %shift_right_logical3A_418 = arith.constant 15 : i32
    %shift_right_logical3A_419 = vector.broadcast %shift_right_logical3A_418 : i32 to vector<16xi32>
    %shift_right_logical3A_420 = arith.shrui %get3A_417, %shift_right_logical3A_419 : vector<16xi32>
    %shift_left3A_421 = arith.constant 13 : i32
    %shift_left3A_422 = vector.broadcast %shift_left3A_421 : i32 to vector<16xi32>
    %shift_left3A_423 = arith.shli %shift_right_logical3A_420, %shift_left3A_422 : vector<16xi32>
    %and3A_424 = arith.constant 8191 : i32
    %and3A_425 = vector.broadcast %and3A_424 : i32 to vector<16xi32>
    %and3A_426 = arith.andi %get3A_417, %and3A_425 : vector<16xi32>
    %or3A_427 = arith.ori %shift_left3A_423, %and3A_426 : vector<16xi32>
    %swap3A_428 = arith.constant 2 : i32
    %swap3A_429 = arith.index_cast %swap3A_428 : i32 to index
    %swap3A_430 = arith.constant 96 : index
    %swap3A_431 = tpu.vector_load %arg6[%swap3A_429, %swap3A_430] {strides = array<i32>} : memref<4x128xi32, #tpu.memory_space<vmem>>, vector<1x16xi32>,
    %swap3A_432 = vector.shape_cast %swap3A_431 : vector<1x16xi32> to vector<16xi32>
    %swap3A_433 = vector.shape_cast %or3A_427 : vector<16xi32> to vector<1x16xi32>
    tpu.vector_store %arg6[%swap3A_429, %swap3A_430], %swap3A_433 {strides = array<i32>} : memref<4x128xi32, #tpu.memory_space<vmem>>, vector<1x16xi32>,
    %get3A_434 = arith.constant 368 : index
    %get3A_435 = tpu.vector_load %arg5[%get3A_434] {strides = array<i32>} : memref<512xi32, #tpu.memory_space<vmem>>, vector<16xi32>,
    %get3A_436 = vector.shape_cast %get3A_435 : vector<16xi32> to vector<16xi32>
    %shift_right_logical3A_437 = arith.constant 15 : i32
    %shift_right_logical3A_438 = vector.broadcast %shift_right_logical3A_437 : i32 to vector<16xi32>
    %shift_right_logical3A_439 = arith.shrui %get3A_436, %shift_right_logical3A_438 : vector<16xi32>
    %shift_left3A_440 = arith.constant 13 : i32
    %shift_left3A_441 = vector.broadcast %shift_left3A_440 : i32 to vector<16xi32>
    %shift_left3A_442 = arith.shli %shift_right_logical3A_439, %shift_left3A_441 : vector<16xi32>
    %and3A_443 = arith.constant 8191 : i32
    %and3A_444 = vector.broadcast %and3A_443 : i32 to vector<16xi32>
    %and3A_445 = arith.andi %get3A_436, %and3A_444 : vector<16xi32>
    %or3A_446 = arith.ori %shift_left3A_442, %and3A_445 : vector<16xi32>
    %swap3A_447 = arith.constant 2 : i32
    %swap3A_448 = arith.index_cast %swap3A_447 : i32 to index
    %swap3A_449 = arith.constant 112 : index
    %swap3A_450 = tpu.vector_load %arg6[%swap3A_448, %swap3A_449] {strides = array<i32>} : memref<4x128xi32, #tpu.memory_space<vmem>>, vector<1x16xi32>,
    %swap3A_451 = vector.shape_cast %swap3A_450 : vector<1x16xi32> to vector<16xi32>
    %swap3A_452 = vector.shape_cast %or3A_446 : vector<16xi32> to vector<1x16xi32>
    tpu.vector_store %arg6[%swap3A_448, %swap3A_449], %swap3A_452 {strides = array<i32>} : memref<4x128xi32, #tpu.memory_space<vmem>>, vector<1x16xi32>,
    %get3A_453 = arith.constant 384 : index
    %get3A_454 = tpu.vector_load %arg5[%get3A_453] {strides = array<i32>} : memref<512xi32, #tpu.memory_space<vmem>>, vector<16xi32>,
    %get3A_455 = vector.shape_cast %get3A_454 : vector<16xi32> to vector<16xi32>
    %shift_right_logical3A_456 = arith.constant 15 : i32
    %shift_right_logical3A_457 = vector.broadcast %shift_right_logical3A_456 : i32 to vector<16xi32>
    %shift_right_logical3A_458 = arith.shrui %get3A_455, %shift_right_logical3A_457 : vector<16xi32>
    %shift_left3A_459 = arith.constant 13 : i32
    %shift_left3A_460 = vector.broadcast %shift_left3A_459 : i32 to vector<16xi32>
    %shift_left3A_461 = arith.shli %shift_right_logical3A_458, %shift_left3A_460 : vector<16xi32>
    %and3A_462 = arith.constant 8191 : i32
    %and3A_463 = vector.broadcast %and3A_462 : i32 to vector<16xi32>
    %and3A_464 = arith.andi %get3A_455, %and3A_463 : vector<16xi32>
    %or3A_465 = arith.ori %shift_left3A_461, %and3A_464 : vector<16xi32>
    %swap3A_466 = arith.constant 3 : i32
    %swap3A_467 = arith.index_cast %swap3A_466 : i32 to index
    %swap3A_468 = arith.constant 0 : index
    %swap3A_469 = tpu.vector_load %arg6[%swap3A_467, %swap3A_468] {strides = array<i32>} : memref<4x128xi32, #tpu.memory_space<vmem>>, vector<1x16xi32>,
    %swap3A_470 = vector.shape_cast %swap3A_469 : vector<1x16xi32> to vector<16xi32>
    %swap3A_471 = vector.shape_cast %or3A_465 : vector<16xi32> to vector<1x16xi32>
    tpu.vector_store %arg6[%swap3A_467, %swap3A_468], %swap3A_471 {strides = array<i32>} : memref<4x128xi32, #tpu.memory_space<vmem>>, vector<1x16xi32>,
    %get3A_472 = arith.constant 400 : index
    %get3A_473 = tpu.vector_load %arg5[%get3A_472] {strides = array<i32>} : memref<512xi32, #tpu.memory_space<vmem>>, vector<16xi32>,
    %get3A_474 = vector.shape_cast %get3A_473 : vector<16xi32> to vector<16xi32>
    %shift_right_logical3A_475 = arith.constant 15 : i32
    %shift_right_logical3A_476 = vector.broadcast %shift_right_logical3A_475 : i32 to vector<16xi32>
    %shift_right_logical3A_477 = arith.shrui %get3A_474, %shift_right_logical3A_476 : vector<16xi32>
    %shift_left3A_478 = arith.constant 13 : i32
    %shift_left3A_479 = vector.broadcast %shift_left3A_478 : i32 to vector<16xi32>
    %shift_left3A_480 = arith.shli %shift_right_logical3A_477, %shift_left3A_479 : vector<16xi32>
    %and3A_481 = arith.constant 8191 : i32
    %and3A_482 = vector.broadcast %and3A_481 : i32 to vector<16xi32>
    %and3A_483 = arith.andi %get3A_474, %and3A_482 : vector<16xi32>
    %or3A_484 = arith.ori %shift_left3A_480, %and3A_483 : vector<16xi32>
    %swap3A_485 = arith.constant 3 : i32
    %swap3A_486 = arith.index_cast %swap3A_485 : i32 to index
    %swap3A_487 = arith.constant 16 : index
    %swap3A_488 = tpu.vector_load %arg6[%swap3A_486, %swap3A_487] {strides = array<i32>} : memref<4x128xi32, #tpu.memory_space<vmem>>, vector<1x16xi32>,
    %swap3A_489 = vector.shape_cast %swap3A_488 : vector<1x16xi32> to vector<16xi32>
    %swap3A_490 = vector.shape_cast %or3A_484 : vector<16xi32> to vector<1x16xi32>
    tpu.vector_store %arg6[%swap3A_486, %swap3A_487], %swap3A_490 {strides = array<i32>} : memref<4x128xi32, #tpu.memory_space<vmem>>, vector<1x16xi32>,
    %get3A_491 = arith.constant 416 : index
    %get3A_492 = tpu.vector_load %arg5[%get3A_491] {strides = array<i32>} : memref<512xi32, #tpu.memory_space<vmem>>, vector<16xi32>,
    %get3A_493 = vector.shape_cast %get3A_492 : vector<16xi32> to vector<16xi32>
    %shift_right_logical3A_494 = arith.constant 15 : i32
    %shift_right_logical3A_495 = vector.broadcast %shift_right_logical3A_494 : i32 to vector<16xi32>
    %shift_right_logical3A_496 = arith.shrui %get3A_493, %shift_right_logical3A_495 : vector<16xi32>
    %shift_left3A_497 = arith.constant 13 : i32
    %shift_left3A_498 = vector.broadcast %shift_left3A_497 : i32 to vector<16xi32>
    %shift_left3A_499 = arith.shli %shift_right_logical3A_496, %shift_left3A_498 : vector<16xi32>
    %and3A_500 = arith.constant 8191 : i32
    %and3A_501 = vector.broadcast %and3A_500 : i32 to vector<16xi32>
    %and3A_502 = arith.andi %get3A_493, %and3A_501 : vector<16xi32>
    %or3A_503 = arith.ori %shift_left3A_499, %and3A_502 : vector<16xi32>
    %swap3A_504 = arith.constant 3 : i32
    %swap3A_505 = arith.index_cast %swap3A_504 : i32 to index
    %swap3A_506 = arith.constant 32 : index
    %swap3A_507 = tpu.vector_load %arg6[%swap3A_505, %swap3A_506] {strides = array<i32>} : memref<4x128xi32, #tpu.memory_space<vmem>>, vector<1x16xi32>,
    %swap3A_508 = vector.shape_cast %swap3A_507 : vector<1x16xi32> to vector<16xi32>
    %swap3A_509 = vector.shape_cast %or3A_503 : vector<16xi32> to vector<1x16xi32>
    tpu.vector_store %arg6[%swap3A_505, %swap3A_506], %swap3A_509 {strides = array<i32>} : memref<4x128xi32, #tpu.memory_space<vmem>>, vector<1x16xi32>,
    %get3A_510 = arith.constant 432 : index
    %get3A_511 = tpu.vector_load %arg5[%get3A_510] {strides = array<i32>} : memref<512xi32, #tpu.memory_space<vmem>>, vector<16xi32>,
    %get3A_512 = vector.shape_cast %get3A_511 : vector<16xi32> to vector<16xi32>
    %shift_right_logical3A_513 = arith.constant 15 : i32
    %shift_right_logical3A_514 = vector.broadcast %shift_right_logical3A_513 : i32 to vector<16xi32>
    %shift_right_logical3A_515 = arith.shrui %get3A_512, %shift_right_logical3A_514 : vector<16xi32>
    %shift_left3A_516 = arith.constant 13 : i32
    %shift_left3A_517 = vector.broadcast %shift_left3A_516 : i32 to vector<16xi32>
    %shift_left3A_518 = arith.shli %shift_right_logical3A_515, %shift_left3A_517 : vector<16xi32>
    %and3A_519 = arith.constant 8191 : i32
    %and3A_520 = vector.broadcast %and3A_519 : i32 to vector<16xi32>
    %and3A_521 = arith.andi %get3A_512, %and3A_520 : vector<16xi32>
    %or3A_522 = arith.ori %shift_left3A_518, %and3A_521 : vector<16xi32>
    %swap3A_523 = arith.constant 3 : i32
    %swap3A_524 = arith.index_cast %swap3A_523 : i32 to index
    %swap3A_525 = arith.constant 48 : index
    %swap3A_526 = tpu.vector_load %arg6[%swap3A_524, %swap3A_525] {strides = array<i32>} : memref<4x128xi32, #tpu.memory_space<vmem>>, vector<1x16xi32>,
    %swap3A_527 = vector.shape_cast %swap3A_526 : vector<1x16xi32> to vector<16xi32>
    %swap3A_528 = vector.shape_cast %or3A_522 : vector<16xi32> to vector<1x16xi32>
    tpu.vector_store %arg6[%swap3A_524, %swap3A_525], %swap3A_528 {strides = array<i32>} : memref<4x128xi32, #tpu.memory_space<vmem>>, vector<1x16xi32>,
    %get3A_529 = arith.constant 448 : index
    %get3A_530 = tpu.vector_load %arg5[%get3A_529] {strides = array<i32>} : memref<512xi32, #tpu.memory_space<vmem>>, vector<16xi32>,
    %get3A_531 = vector.shape_cast %get3A_530 : vector<16xi32> to vector<16xi32>
    %shift_right_logical3A_532 = arith.constant 15 : i32
    %shift_right_logical3A_533 = vector.broadcast %shift_right_logical3A_532 : i32 to vector<16xi32>
    %shift_right_logical3A_534 = arith.shrui %get3A_531, %shift_right_logical3A_533 : vector<16xi32>
    %shift_left3A_535 = arith.constant 13 : i32
    %shift_left3A_536 = vector.broadcast %shift_left3A_535 : i32 to vector<16xi32>
    %shift_left3A_537 = arith.shli %shift_right_logical3A_534, %shift_left3A_536 : vector<16xi32>
    %and3A_538 = arith.constant 8191 : i32
    %and3A_539 = vector.broadcast %and3A_538 : i32 to vector<16xi32>
    %and3A_540 = arith.andi %get3A_531, %and3A_539 : vector<16xi32>
    %or3A_541 = arith.ori %shift_left3A_537, %and3A_540 : vector<16xi32>
    %swap3A_542 = arith.constant 3 : i32
    %swap3A_543 = arith.index_cast %swap3A_542 : i32 to index
    %swap3A_544 = arith.constant 64 : index
    %swap3A_545 = tpu.vector_load %arg6[%swap3A_543, %swap3A_544] {strides = array<i32>} : memref<4x128xi32, #tpu.memory_space<vmem>>, vector<1x16xi32>,
    %swap3A_546 = vector.shape_cast %swap3A_545 : vector<1x16xi32> to vector<16xi32>
    %swap3A_547 = vector.shape_cast %or3A_541 : vector<16xi32> to vector<1x16xi32>
    tpu.vector_store %arg6[%swap3A_543, %swap3A_544], %swap3A_547 {strides = array<i32>} : memref<4x128xi32, #tpu.memory_space<vmem>>, vector<1x16xi32>,
    %get3A_548 = arith.constant 464 : index
    %get3A_549 = tpu.vector_load %arg5[%get3A_548] {strides = array<i32>} : memref<512xi32, #tpu.memory_space<vmem>>, vector<16xi32>,
    %get3A_550 = vector.shape_cast %get3A_549 : vector<16xi32> to vector<16xi32>
    %shift_right_logical3A_551 = arith.constant 15 : i32
    %shift_right_logical3A_552 = vector.broadcast %shift_right_logical3A_551 : i32 to vector<16xi32>
    %shift_right_logical3A_553 = arith.shrui %get3A_550, %shift_right_logical3A_552 : vector<16xi32>
    %shift_left3A_554 = arith.constant 13 : i32
    %shift_left3A_555 = vector.broadcast %shift_left3A_554 : i32 to vector<16xi32>
    %shift_left3A_556 = arith.shli %shift_right_logical3A_553, %shift_left3A_555 : vector<16xi32>
    %and3A_557 = arith.constant 8191 : i32
    %and3A_558 = vector.broadcast %and3A_557 : i32 to vector<16xi32>
    %and3A_559 = arith.andi %get3A_550, %and3A_558 : vector<16xi32>
    %or3A_560 = arith.ori %shift_left3A_556, %and3A_559 : vector<16xi32>
    %swap3A_561 = arith.constant 3 : i32
    %swap3A_562 = arith.index_cast %swap3A_561 : i32 to index
    %swap3A_563 = arith.constant 80 : index
    %swap3A_564 = tpu.vector_load %arg6[%swap3A_562, %swap3A_563] {strides = array<i32>} : memref<4x128xi32, #tpu.memory_space<vmem>>, vector<1x16xi32>,
    %swap3A_565 = vector.shape_cast %swap3A_564 : vector<1x16xi32> to vector<16xi32>
    %swap3A_566 = vector.shape_cast %or3A_560 : vector<16xi32> to vector<1x16xi32>
    tpu.vector_store %arg6[%swap3A_562, %swap3A_563], %swap3A_566 {strides = array<i32>} : memref<4x128xi32, #tpu.memory_space<vmem>>, vector<1x16xi32>,
    %get3A_567 = arith.constant 480 : index
    %get3A_568 = tpu.vector_load %arg5[%get3A_567] {strides = array<i32>} : memref<512xi32, #tpu.memory_space<vmem>>, vector<16xi32>,
    %get3A_569 = vector.shape_cast %get3A_568 : vector<16xi32> to vector<16xi32>
    %shift_right_logical3A_570 = arith.constant 15 : i32
    %shift_right_logical3A_571 = vector.broadcast %shift_right_logical3A_570 : i32 to vector<16xi32>
    %shift_right_logical3A_572 = arith.shrui %get3A_569, %shift_right_logical3A_571 : vector<16xi32>
    %shift_left3A_573 = arith.constant 13 : i32
    %shift_left3A_574 = vector.broadcast %shift_left3A_573 : i32 to vector<16xi32>
    %shift_left3A_575 = arith.shli %shift_right_logical3A_572, %shift_left3A_574 : vector<16xi32>
    %and3A_576 = arith.constant 8191 : i32
    %and3A_577 = vector.broadcast %and3A_576 : i32 to vector<16xi32>
    %and3A_578 = arith.andi %get3A_569, %and3A_577 : vector<16xi32>
    %or3A_579 = arith.ori %shift_left3A_575, %and3A_578 : vector<16xi32>
    %swap3A_580 = arith.constant 3 : i32
    %swap3A_581 = arith.index_cast %swap3A_580 : i32 to index
    %swap3A_582 = arith.constant 96 : index
    %swap3A_583 = tpu.vector_load %arg6[%swap3A_581, %swap3A_582] {strides = array<i32>} : memref<4x128xi32, #tpu.memory_space<vmem>>, vector<1x16xi32>,
    %swap3A_584 = vector.shape_cast %swap3A_583 : vector<1x16xi32> to vector<16xi32>
    %swap3A_585 = vector.shape_cast %or3A_579 : vector<16xi32> to vector<1x16xi32>
    tpu.vector_store %arg6[%swap3A_581, %swap3A_582], %swap3A_585 {strides = array<i32>} : memref<4x128xi32, #tpu.memory_space<vmem>>, vector<1x16xi32>,
    %get3A_586 = arith.constant 496 : index
    %get3A_587 = tpu.vector_load %arg5[%get3A_586] {strides = array<i32>} : memref<512xi32, #tpu.memory_space<vmem>>, vector<16xi32>,
    %get3A_588 = vector.shape_cast %get3A_587 : vector<16xi32> to vector<16xi32>
    %shift_right_logical3A_589 = arith.constant 15 : i32
    %shift_right_logical3A_590 = vector.broadcast %shift_right_logical3A_589 : i32 to vector<16xi32>
    %shift_right_logical3A_591 = arith.shrui %get3A_588, %shift_right_logical3A_590 : vector<16xi32>
    %shift_left3A_592 = arith.constant 13 : i32
    %shift_left3A_593 = vector.broadcast %shift_left3A_592 : i32 to vector<16xi32>
    %shift_left3A_594 = arith.shli %shift_right_logical3A_591, %shift_left3A_593 : vector<16xi32>
    %and3A_595 = arith.constant 8191 : i32
    %and3A_596 = vector.broadcast %and3A_595 : i32 to vector<16xi32>
    %and3A_597 = arith.andi %get3A_588, %and3A_596 : vector<16xi32>
    %or3A_598 = arith.ori %shift_left3A_594, %and3A_597 : vector<16xi32>
    %swap3A_599 = arith.constant 3 : i32
    %swap3A_600 = arith.index_cast %swap3A_599 : i32 to index
    %swap3A_601 = arith.constant 112 : index
    %swap3A_602 = tpu.vector_load %arg6[%swap3A_600, %swap3A_601] {strides = array<i32>} : memref<4x128xi32, #tpu.memory_space<vmem>>, vector<1x16xi32>,
    %swap3A_603 = vector.shape_cast %swap3A_602 : vector<1x16xi32> to vector<16xi32>
    %swap3A_604 = vector.shape_cast %or3A_598 : vector<16xi32> to vector<1x16xi32>
    tpu.vector_store %arg6[%swap3A_600, %swap3A_601], %swap3A_604 {strides = array<i32>} : memref<4x128xi32, #tpu.memory_space<vmem>>, vector<1x16xi32>,
    %dma_start3A = arith.constant 0 : i32
    %dma_start3A_605 = arith.constant 0 : i32
    %dma_start3A_606 = arith.constant 0 : i32
    %dma_start3A_607 = arith.constant 0 : i32
    %dma_start3A_608 = tpu.memref_slice %arg7[%dma_start3A_605, %dma_start3A_606, %dma_start3A_607] : memref<4x128x128xf32, #tpu.memory_space<vmem>> -> memref<1x128x128xf32, #tpu.memory_space<vmem>>
    %dma_start3A_609 = tpu.memref_squeeze %dma_start3A_608 : memref<1x128x128xf32, #tpu.memory_space<vmem>> -> memref<128x128xf32, #tpu.memory_space<vmem>>
    %dma_start3A_610 = arith.constant 0 : i32
    %dma_start3A_611 = tpu.memref_slice %arg6[%dma_start3A, %dma_start3A_610] : memref<4x128xi32, #tpu.memory_space<vmem>> -> memref<1x128xi32, #tpu.memory_space<vmem>>
    %dma_start3A_612 = tpu.memref_squeeze %dma_start3A_611 : memref<1x128xi32, #tpu.memory_space<vmem>> -> memref<128xi32, #tpu.memory_space<vmem>>
    %dma_start3A_613 = arith.constant 0 : i32
    %dma_start3A_614 = arith.constant 0 : i32
    %dma_start3A_615 = tpu.memref_slice %arg2[%dma_start3A_613, %dma_start3A_614] : memref<253952x128xf32, #tpu.memory_space<hbm>> -> memref<253952x128xf32, #tpu.memory_space<hbm>>
    tpu.enqueue_indirect_dma source(%dma_start3A_615 : memref<253952x128xf32, #tpu.memory_space<hbm>>) target(%dma_start3A_609 : memref<128x128xf32, #tpu.memory_space<vmem>>) offsets(%dma_start3A_612 : memref<128xi32, #tpu.memory_space<vmem>>) semaphore(%arg8 : memref<!tpu.dma_semaphore, #tpu.memory_space<semaphore_mem>>)
    %dma_start3A_616 = arith.constant 1 : i32
    %dma_start3A_617 = arith.constant 1 : i32
    %dma_start3A_618 = arith.constant 0 : i32
    %dma_start3A_619 = arith.constant 0 : i32
    %dma_start3A_620 = tpu.memref_slice %arg7[%dma_start3A_617, %dma_start3A_618, %dma_start3A_619] : memref<4x128x128xf32, #tpu.memory_space<vmem>> -> memref<1x128x128xf32, #tpu.memory_space<vmem>>
    %dma_start3A_621 = tpu.memref_squeeze %dma_start3A_620 : memref<1x128x128xf32, #tpu.memory_space<vmem>> -> memref<128x128xf32, #tpu.memory_space<vmem>>
    %dma_start3A_622 = arith.constant 0 : i32
    %dma_start3A_623 = tpu.memref_slice %arg6[%dma_start3A_616, %dma_start3A_622] : memref<4x128xi32, #tpu.memory_space<vmem>> -> memref<1x128xi32, #tpu.memory_space<vmem>>
    %dma_start3A_624 = tpu.memref_squeeze %dma_start3A_623 : memref<1x128xi32, #tpu.memory_space<vmem>> -> memref<128xi32, #tpu.memory_space<vmem>>
    %dma_start3A_625 = arith.constant 0 : i32
    %dma_start3A_626 = arith.constant 0 : i32
    %dma_start3A_627 = tpu.memref_slice %arg2[%dma_start3A_625, %dma_start3A_626] : memref<253952x128xf32, #tpu.memory_space<hbm>> -> memref<253952x128xf32, #tpu.memory_space<hbm>>
    tpu.enqueue_indirect_dma source(%dma_start3A_627 : memref<253952x128xf32, #tpu.memory_space<hbm>>) target(%dma_start3A_621 : memref<128x128xf32, #tpu.memory_space<vmem>>) offsets(%dma_start3A_624 : memref<128xi32, #tpu.memory_space<vmem>>) semaphore(%arg8 : memref<!tpu.dma_semaphore, #tpu.memory_space<semaphore_mem>>)
    %dma_start3A_628 = arith.constant 2 : i32
    %dma_start3A_629 = arith.constant 2 : i32
    %dma_start3A_630 = arith.constant 0 : i32
    %dma_start3A_631 = arith.constant 0 : i32
    %dma_start3A_632 = tpu.memref_slice %arg7[%dma_start3A_629, %dma_start3A_630, %dma_start3A_631] : memref<4x128x128xf32, #tpu.memory_space<vmem>> -> memref<1x128x128xf32, #tpu.memory_space<vmem>>
    %dma_start3A_633 = tpu.memref_squeeze %dma_start3A_632 : memref<1x128x128xf32, #tpu.memory_space<vmem>> -> memref<128x128xf32, #tpu.memory_space<vmem>>
    %dma_start3A_634 = arith.constant 0 : i32
    %dma_start3A_635 = tpu.memref_slice %arg6[%dma_start3A_628, %dma_start3A_634] : memref<4x128xi32, #tpu.memory_space<vmem>> -> memref<1x128xi32, #tpu.memory_space<vmem>>
    %dma_start3A_636 = tpu.memref_squeeze %dma_start3A_635 : memref<1x128xi32, #tpu.memory_space<vmem>> -> memref<128xi32, #tpu.memory_space<vmem>>
    %dma_start3A_637 = arith.constant 0 : i32
    %dma_start3A_638 = arith.constant 0 : i32
    %dma_start3A_639 = tpu.memref_slice %arg2[%dma_start3A_637, %dma_start3A_638] : memref<253952x128xf32, #tpu.memory_space<hbm>> -> memref<253952x128xf32, #tpu.memory_space<hbm>>
    tpu.enqueue_indirect_dma source(%dma_start3A_639 : memref<253952x128xf32, #tpu.memory_space<hbm>>) target(%dma_start3A_633 : memref<128x128xf32, #tpu.memory_space<vmem>>) offsets(%dma_start3A_636 : memref<128xi32, #tpu.memory_space<vmem>>) semaphore(%arg8 : memref<!tpu.dma_semaphore, #tpu.memory_space<semaphore_mem>>)
    %dma_start3A_640 = arith.constant 3 : i32
    %dma_start3A_641 = arith.constant 3 : i32
    %dma_start3A_642 = arith.constant 0 : i32
    %dma_start3A_643 = arith.constant 0 : i32
    %dma_start3A_644 = tpu.memref_slice %arg7[%dma_start3A_641, %dma_start3A_642, %dma_start3A_643] : memref<4x128x128xf32, #tpu.memory_space<vmem>> -> memref<1x128x128xf32, #tpu.memory_space<vmem>>
    %dma_start3A_645 = tpu.memref_squeeze %dma_start3A_644 : memref<1x128x128xf32, #tpu.memory_space<vmem>> -> memref<128x128xf32, #tpu.memory_space<vmem>>
    %dma_start3A_646 = arith.constant 0 : i32
    %dma_start3A_647 = tpu.memref_slice %arg6[%dma_start3A_640, %dma_start3A_646] : memref<4x128xi32, #tpu.memory_space<vmem>> -> memref<1x128xi32, #tpu.memory_space<vmem>>
    %dma_start3A_648 = tpu.memref_squeeze %dma_start3A_647 : memref<1x128xi32, #tpu.memory_space<vmem>> -> memref<128xi32, #tpu.memory_space<vmem>>
    %dma_start3A_649 = arith.constant 0 : i32
    %dma_start3A_650 = arith.constant 0 : i32
    %dma_start3A_651 = tpu.memref_slice %arg2[%dma_start3A_649, %dma_start3A_650] : memref<253952x128xf32, #tpu.memory_space<hbm>> -> memref<253952x128xf32, #tpu.memory_space<hbm>>
    tpu.enqueue_indirect_dma source(%dma_start3A_651 : memref<253952x128xf32, #tpu.memory_space<hbm>>) target(%dma_start3A_645 : memref<128x128xf32, #tpu.memory_space<vmem>>) offsets(%dma_start3A_648 : memref<128xi32, #tpu.memory_space<vmem>>) semaphore(%arg8 : memref<!tpu.dma_semaphore, #tpu.memory_space<semaphore_mem>>)
    %dma_wait3A = arith.constant 0 : i32
    %dma_wait3A_652 = arith.constant 0 : i32
    %dma_wait3A_653 = arith.constant 0 : i32
    %dma_wait3A_654 = arith.constant 0 : i32
    %dma_wait3A_655 = tpu.memref_slice %arg7[%dma_wait3A_652, %dma_wait3A_653, %dma_wait3A_654] : memref<4x128x128xf32, #tpu.memory_space<vmem>> -> memref<1x128x128xf32, #tpu.memory_space<vmem>>
    %dma_wait3A_656 = tpu.memref_squeeze %dma_wait3A_655 : memref<1x128x128xf32, #tpu.memory_space<vmem>> -> memref<128x128xf32, #tpu.memory_space<vmem>>
    %dma_wait3A_657 = arith.constant 0 : i32
    %dma_wait3A_658 = tpu.memref_slice %arg6[%dma_wait3A, %dma_wait3A_657] : memref<4x128xi32, #tpu.memory_space<vmem>> -> memref<1x128xi32, #tpu.memory_space<vmem>>
    %dma_wait3A_659 = tpu.memref_squeeze %dma_wait3A_658 : memref<1x128xi32, #tpu.memory_space<vmem>> -> memref<128xi32, #tpu.memory_space<vmem>>
    %dma_wait3A_660 = arith.constant 0 : i32
    %dma_wait3A_661 = arith.constant 0 : i32
    %dma_wait3A_662 = tpu.memref_slice %arg2[%dma_wait3A_660, %dma_wait3A_661] : memref<253952x128xf32, #tpu.memory_space<hbm>> -> memref<253952x128xf32, #tpu.memory_space<hbm>>
    tpu.wait_indirect_dma semaphore(%arg8 : memref<!tpu.dma_semaphore, #tpu.memory_space<semaphore_mem>>) src(%dma_wait3A_662 : memref<253952x128xf32, #tpu.memory_space<hbm>>) dst(%dma_wait3A_656 : memref<128x128xf32, #tpu.memory_space<vmem>>)
    %add3A_663 = arith.constant 0 : i32
    %add3A_664 = arith.addi %mul3A_2, %add3A_663 : i32
    %run_scoped3A = arith.constant 0 : i32
    "tpu.region"() ({
      %run_scoped3A_710 = tpu.sem_alloc : memref<!tpu.dma_semaphore, #tpu.memory_space<semaphore_mem>>
      %dma_start3A_711 = arith.constant 0 : i32
      %dma_start3A_712 = arith.constant 0 : i32
      %dma_start3A_713 = tpu.memref_slice %arg7[%run_scoped3A, %dma_start3A_711, %dma_start3A_712] : memref<4x128x128xf32, #tpu.memory_space<vmem>> -> memref<1x128x128xf32, #tpu.memory_space<vmem>>
      %dma_start3A_714 = tpu.memref_squeeze %dma_start3A_713 : memref<1x128x128xf32, #tpu.memory_space<vmem>> -> memref<128x128xf32, #tpu.memory_space<vmem>>
      %dma_start3A_715 = arith.constant 0 : i32
      %dma_start3A_716 = tpu.memref_slice %arg4[%add3A_664, %dma_start3A_715] : memref<16384x128xf32, #tpu.memory_space<hbm>> -> memref<128x128xf32, #tpu.memory_space<hbm>>
      %dma_start3A_717 = arith.constant 0 : i32
      %dma_start3A_718 = tpu.memref_slice %arg4[%add3A_664, %dma_start3A_717] : memref<16384x128xf32, #tpu.memory_space<hbm>> -> memref<128x128xf32, #tpu.memory_space<hbm>>
      %dma_start3A_719 = arith.constant 0 : i32
      %dma_start3A_720 = arith.constant 0 : i32
      %dma_start3A_721 = tpu.memref_slice %arg7[%run_scoped3A, %dma_start3A_719, %dma_start3A_720] : memref<4x128x128xf32, #tpu.memory_space<vmem>> -> memref<1x128x128xf32, #tpu.memory_space<vmem>>
      %dma_start3A_722 = tpu.memref_squeeze %dma_start3A_721 : memref<1x128x128xf32, #tpu.memory_space<vmem>> -> memref<128x128xf32, #tpu.memory_space<vmem>>
      tpu.enqueue_dma source(%dma_start3A_722 : memref<128x128xf32, #tpu.memory_space<vmem>>) target(%dma_start3A_718 : memref<128x128xf32, #tpu.memory_space<hbm>>) target_semaphore(%run_scoped3A_710 : memref<!tpu.dma_semaphore, #tpu.memory_space<semaphore_mem>>)
      %dma_wait3A_723 = arith.constant 0 : i32
      %dma_wait3A_724 = arith.constant 0 : i32
      %dma_wait3A_725 = tpu.memref_slice %arg7[%run_scoped3A, %dma_wait3A_723, %dma_wait3A_724] : memref<4x128x128xf32, #tpu.memory_space<vmem>> -> memref<1x128x128xf32, #tpu.memory_space<vmem>>
      %dma_wait3A_726 = tpu.memref_squeeze %dma_wait3A_725 : memref<1x128x128xf32, #tpu.memory_space<vmem>> -> memref<128x128xf32, #tpu.memory_space<vmem>>
      %dma_wait3A_727 = arith.constant 0 : i32
      %dma_wait3A_728 = tpu.memref_slice %arg4[%add3A_664, %dma_wait3A_727] : memref<16384x128xf32, #tpu.memory_space<hbm>> -> memref<128x128xf32, #tpu.memory_space<hbm>>
      %dma_wait3A_729 = arith.constant 0 : i32
      %dma_wait3A_730 = tpu.memref_slice %arg4[%add3A_664, %dma_wait3A_729] : memref<16384x128xf32, #tpu.memory_space<hbm>> -> memref<128x128xf32, #tpu.memory_space<hbm>>
      %dma_wait3A_731 = arith.constant 0 : i32
      %dma_wait3A_732 = arith.constant 0 : i32
      %dma_wait3A_733 = tpu.memref_slice %arg7[%run_scoped3A, %dma_wait3A_731, %dma_wait3A_732] : memref<4x128x128xf32, #tpu.memory_space<vmem>> -> memref<1x128x128xf32, #tpu.memory_space<vmem>>
      %dma_wait3A_734 = tpu.memref_squeeze %dma_wait3A_733 : memref<1x128x128xf32, #tpu.memory_space<vmem>> -> memref<128x128xf32, #tpu.memory_space<vmem>>
      tpu.wait_dma2 semaphore(%run_scoped3A_710 : memref<!tpu.dma_semaphore, #tpu.memory_space<semaphore_mem>>) src(%dma_wait3A_734 : memref<128x128xf32, #tpu.memory_space<vmem>>) dst(%dma_wait3A_730 : memref<128x128xf32, #tpu.memory_space<hbm>>)
      tpu.yield
    }) : () -> ()
    %dma_wait3A_665 = arith.constant 1 : i32
    %dma_wait3A_666 = arith.constant 1 : i32
    %dma_wait3A_667 = arith.constant 0 : i32
    %dma_wait3A_668 = arith.constant 0 : i32
    %dma_wait3A_669 = tpu.memref_slice %arg7[%dma_wait3A_666, %dma_wait3A_667, %dma_wait3A_668] : memref<4x128x128xf32, #tpu.memory_space<vmem>> -> memref<1x128x128xf32, #tpu.memory_space<vmem>>
    %dma_wait3A_670 = tpu.memref_squeeze %dma_wait3A_669 : memref<1x128x128xf32, #tpu.memory_space<vmem>> -> memref<128x128xf32, #tpu.memory_space<vmem>>
    %dma_wait3A_671 = arith.constant 0 : i32
    %dma_wait3A_672 = tpu.memref_slice %arg6[%dma_wait3A_665, %dma_wait3A_671] : memref<4x128xi32, #tpu.memory_space<vmem>> -> memref<1x128xi32, #tpu.memory_space<vmem>>
    %dma_wait3A_673 = tpu.memref_squeeze %dma_wait3A_672 : memref<1x128xi32, #tpu.memory_space<vmem>> -> memref<128xi32, #tpu.memory_space<vmem>>
    %dma_wait3A_674 = arith.constant 0 : i32
    %dma_wait3A_675 = arith.constant 0 : i32
    %dma_wait3A_676 = tpu.memref_slice %arg2[%dma_wait3A_674, %dma_wait3A_675] : memref<253952x128xf32, #tpu.memory_space<hbm>> -> memref<253952x128xf32, #tpu.memory_space<hbm>>
    tpu.wait_indirect_dma semaphore(%arg8 : memref<!tpu.dma_semaphore, #tpu.memory_space<semaphore_mem>>) src(%dma_wait3A_676 : memref<253952x128xf32, #tpu.memory_space<hbm>>) dst(%dma_wait3A_670 : memref<128x128xf32, #tpu.memory_space<vmem>>)
    %add3A_677 = arith.constant 128 : i32
    %add3A_678 = arith.addi %mul3A_2, %add3A_677 : i32
    %run_scoped3A_679 = arith.constant 1 : i32
    "tpu.region"() ({
      %run_scoped3A_710 = tpu.sem_alloc : memref<!tpu.dma_semaphore, #tpu.memory_space<semaphore_mem>>
      %dma_start3A_711 = arith.constant 0 : i32
      %dma_start3A_712 = arith.constant 0 : i32
      %dma_start3A_713 = tpu.memref_slice %arg7[%run_scoped3A_679, %dma_start3A_711, %dma_start3A_712] : memref<4x128x128xf32, #tpu.memory_space<vmem>> -> memref<1x128x128xf32, #tpu.memory_space<vmem>>
      %dma_start3A_714 = tpu.memref_squeeze %dma_start3A_713 : memref<1x128x128xf32, #tpu.memory_space<vmem>> -> memref<128x128xf32, #tpu.memory_space<vmem>>
      %dma_start3A_715 = arith.constant 0 : i32
      %dma_start3A_716 = tpu.memref_slice %arg4[%add3A_678, %dma_start3A_715] : memref<16384x128xf32, #tpu.memory_space<hbm>> -> memref<128x128xf32, #tpu.memory_space<hbm>>
      %dma_start3A_717 = arith.constant 0 : i32
      %dma_start3A_718 = tpu.memref_slice %arg4[%add3A_678, %dma_start3A_717] : memref<16384x128xf32, #tpu.memory_space<hbm>> -> memref<128x128xf32, #tpu.memory_space<hbm>>
      %dma_start3A_719 = arith.constant 0 : i32
      %dma_start3A_720 = arith.constant 0 : i32
      %dma_start3A_721 = tpu.memref_slice %arg7[%run_scoped3A_679, %dma_start3A_719, %dma_start3A_720] : memref<4x128x128xf32, #tpu.memory_space<vmem>> -> memref<1x128x128xf32, #tpu.memory_space<vmem>>
      %dma_start3A_722 = tpu.memref_squeeze %dma_start3A_721 : memref<1x128x128xf32, #tpu.memory_space<vmem>> -> memref<128x128xf32, #tpu.memory_space<vmem>>
      tpu.enqueue_dma source(%dma_start3A_722 : memref<128x128xf32, #tpu.memory_space<vmem>>) target(%dma_start3A_718 : memref<128x128xf32, #tpu.memory_space<hbm>>) target_semaphore(%run_scoped3A_710 : memref<!tpu.dma_semaphore, #tpu.memory_space<semaphore_mem>>)
      %dma_wait3A_723 = arith.constant 0 : i32
      %dma_wait3A_724 = arith.constant 0 : i32
      %dma_wait3A_725 = tpu.memref_slice %arg7[%run_scoped3A_679, %dma_wait3A_723, %dma_wait3A_724] : memref<4x128x128xf32, #tpu.memory_space<vmem>> -> memref<1x128x128xf32, #tpu.memory_space<vmem>>
      %dma_wait3A_726 = tpu.memref_squeeze %dma_wait3A_725 : memref<1x128x128xf32, #tpu.memory_space<vmem>> -> memref<128x128xf32, #tpu.memory_space<vmem>>
      %dma_wait3A_727 = arith.constant 0 : i32
      %dma_wait3A_728 = tpu.memref_slice %arg4[%add3A_678, %dma_wait3A_727] : memref<16384x128xf32, #tpu.memory_space<hbm>> -> memref<128x128xf32, #tpu.memory_space<hbm>>
      %dma_wait3A_729 = arith.constant 0 : i32
      %dma_wait3A_730 = tpu.memref_slice %arg4[%add3A_678, %dma_wait3A_729] : memref<16384x128xf32, #tpu.memory_space<hbm>> -> memref<128x128xf32, #tpu.memory_space<hbm>>
      %dma_wait3A_731 = arith.constant 0 : i32
      %dma_wait3A_732 = arith.constant 0 : i32
      %dma_wait3A_733 = tpu.memref_slice %arg7[%run_scoped3A_679, %dma_wait3A_731, %dma_wait3A_732] : memref<4x128x128xf32, #tpu.memory_space<vmem>> -> memref<1x128x128xf32, #tpu.memory_space<vmem>>
      %dma_wait3A_734 = tpu.memref_squeeze %dma_wait3A_733 : memref<1x128x128xf32, #tpu.memory_space<vmem>> -> memref<128x128xf32, #tpu.memory_space<vmem>>
      tpu.wait_dma2 semaphore(%run_scoped3A_710 : memref<!tpu.dma_semaphore, #tpu.memory_space<semaphore_mem>>) src(%dma_wait3A_734 : memref<128x128xf32, #tpu.memory_space<vmem>>) dst(%dma_wait3A_730 : memref<128x128xf32, #tpu.memory_space<hbm>>)
      tpu.yield
    }) : () -> ()
    %dma_wait3A_680 = arith.constant 2 : i32
    %dma_wait3A_681 = arith.constant 2 : i32
    %dma_wait3A_682 = arith.constant 0 : i32
    %dma_wait3A_683 = arith.constant 0 : i32
    %dma_wait3A_684 = tpu.memref_slice %arg7[%dma_wait3A_681, %dma_wait3A_682, %dma_wait3A_683] : memref<4x128x128xf32, #tpu.memory_space<vmem>> -> memref<1x128x128xf32, #tpu.memory_space<vmem>>
    %dma_wait3A_685 = tpu.memref_squeeze %dma_wait3A_684 : memref<1x128x128xf32, #tpu.memory_space<vmem>> -> memref<128x128xf32, #tpu.memory_space<vmem>>
    %dma_wait3A_686 = arith.constant 0 : i32
    %dma_wait3A_687 = tpu.memref_slice %arg6[%dma_wait3A_680, %dma_wait3A_686] : memref<4x128xi32, #tpu.memory_space<vmem>> -> memref<1x128xi32, #tpu.memory_space<vmem>>
    %dma_wait3A_688 = tpu.memref_squeeze %dma_wait3A_687 : memref<1x128xi32, #tpu.memory_space<vmem>> -> memref<128xi32, #tpu.memory_space<vmem>>
    %dma_wait3A_689 = arith.constant 0 : i32
    %dma_wait3A_690 = arith.constant 0 : i32
    %dma_wait3A_691 = tpu.memref_slice %arg2[%dma_wait3A_689, %dma_wait3A_690] : memref<253952x128xf32, #tpu.memory_space<hbm>> -> memref<253952x128xf32, #tpu.memory_space<hbm>>
    tpu.wait_indirect_dma semaphore(%arg8 : memref<!tpu.dma_semaphore, #tpu.memory_space<semaphore_mem>>) src(%dma_wait3A_691 : memref<253952x128xf32, #tpu.memory_space<hbm>>) dst(%dma_wait3A_685 : memref<128x128xf32, #tpu.memory_space<vmem>>)
    %add3A_692 = arith.constant 256 : i32
    %add3A_693 = arith.addi %mul3A_2, %add3A_692 : i32
    %run_scoped3A_694 = arith.constant 2 : i32
    "tpu.region"() ({
      %run_scoped3A_710 = tpu.sem_alloc : memref<!tpu.dma_semaphore, #tpu.memory_space<semaphore_mem>>
      %dma_start3A_711 = arith.constant 0 : i32
      %dma_start3A_712 = arith.constant 0 : i32
      %dma_start3A_713 = tpu.memref_slice %arg7[%run_scoped3A_694, %dma_start3A_711, %dma_start3A_712] : memref<4x128x128xf32, #tpu.memory_space<vmem>> -> memref<1x128x128xf32, #tpu.memory_space<vmem>>
      %dma_start3A_714 = tpu.memref_squeeze %dma_start3A_713 : memref<1x128x128xf32, #tpu.memory_space<vmem>> -> memref<128x128xf32, #tpu.memory_space<vmem>>
      %dma_start3A_715 = arith.constant 0 : i32
      %dma_start3A_716 = tpu.memref_slice %arg4[%add3A_693, %dma_start3A_715] : memref<16384x128xf32, #tpu.memory_space<hbm>> -> memref<128x128xf32, #tpu.memory_space<hbm>>
      %dma_start3A_717 = arith.constant 0 : i32
      %dma_start3A_718 = tpu.memref_slice %arg4[%add3A_693, %dma_start3A_717] : memref<16384x128xf32, #tpu.memory_space<hbm>> -> memref<128x128xf32, #tpu.memory_space<hbm>>
      %dma_start3A_719 = arith.constant 0 : i32
      %dma_start3A_720 = arith.constant 0 : i32
      %dma_start3A_721 = tpu.memref_slice %arg7[%run_scoped3A_694, %dma_start3A_719, %dma_start3A_720] : memref<4x128x128xf32, #tpu.memory_space<vmem>> -> memref<1x128x128xf32, #tpu.memory_space<vmem>>
      %dma_start3A_722 = tpu.memref_squeeze %dma_start3A_721 : memref<1x128x128xf32, #tpu.memory_space<vmem>> -> memref<128x128xf32, #tpu.memory_space<vmem>>
      tpu.enqueue_dma source(%dma_start3A_722 : memref<128x128xf32, #tpu.memory_space<vmem>>) target(%dma_start3A_718 : memref<128x128xf32, #tpu.memory_space<hbm>>) target_semaphore(%run_scoped3A_710 : memref<!tpu.dma_semaphore, #tpu.memory_space<semaphore_mem>>)
      %dma_wait3A_723 = arith.constant 0 : i32
      %dma_wait3A_724 = arith.constant 0 : i32
      %dma_wait3A_725 = tpu.memref_slice %arg7[%run_scoped3A_694, %dma_wait3A_723, %dma_wait3A_724] : memref<4x128x128xf32, #tpu.memory_space<vmem>> -> memref<1x128x128xf32, #tpu.memory_space<vmem>>
      %dma_wait3A_726 = tpu.memref_squeeze %dma_wait3A_725 : memref<1x128x128xf32, #tpu.memory_space<vmem>> -> memref<128x128xf32, #tpu.memory_space<vmem>>
      %dma_wait3A_727 = arith.constant 0 : i32
      %dma_wait3A_728 = tpu.memref_slice %arg4[%add3A_693, %dma_wait3A_727] : memref<16384x128xf32, #tpu.memory_space<hbm>> -> memref<128x128xf32, #tpu.memory_space<hbm>>
      %dma_wait3A_729 = arith.constant 0 : i32
      %dma_wait3A_730 = tpu.memref_slice %arg4[%add3A_693, %dma_wait3A_729] : memref<16384x128xf32, #tpu.memory_space<hbm>> -> memref<128x128xf32, #tpu.memory_space<hbm>>
      %dma_wait3A_731 = arith.constant 0 : i32
      %dma_wait3A_732 = arith.constant 0 : i32
      %dma_wait3A_733 = tpu.memref_slice %arg7[%run_scoped3A_694, %dma_wait3A_731, %dma_wait3A_732] : memref<4x128x128xf32, #tpu.memory_space<vmem>> -> memref<1x128x128xf32, #tpu.memory_space<vmem>>
      %dma_wait3A_734 = tpu.memref_squeeze %dma_wait3A_733 : memref<1x128x128xf32, #tpu.memory_space<vmem>> -> memref<128x128xf32, #tpu.memory_space<vmem>>
      tpu.wait_dma2 semaphore(%run_scoped3A_710 : memref<!tpu.dma_semaphore, #tpu.memory_space<semaphore_mem>>) src(%dma_wait3A_734 : memref<128x128xf32, #tpu.memory_space<vmem>>) dst(%dma_wait3A_730 : memref<128x128xf32, #tpu.memory_space<hbm>>)
      tpu.yield
    }) : () -> ()
    %dma_wait3A_695 = arith.constant 3 : i32
    %dma_wait3A_696 = arith.constant 3 : i32
    %dma_wait3A_697 = arith.constant 0 : i32
    %dma_wait3A_698 = arith.constant 0 : i32
    %dma_wait3A_699 = tpu.memref_slice %arg7[%dma_wait3A_696, %dma_wait3A_697, %dma_wait3A_698] : memref<4x128x128xf32, #tpu.memory_space<vmem>> -> memref<1x128x128xf32, #tpu.memory_space<vmem>>
    %dma_wait3A_700 = tpu.memref_squeeze %dma_wait3A_699 : memref<1x128x128xf32, #tpu.memory_space<vmem>> -> memref<128x128xf32, #tpu.memory_space<vmem>>
    %dma_wait3A_701 = arith.constant 0 : i32
    %dma_wait3A_702 = tpu.memref_slice %arg6[%dma_wait3A_695, %dma_wait3A_701] : memref<4x128xi32, #tpu.memory_space<vmem>> -> memref<1x128xi32, #tpu.memory_space<vmem>>
    %dma_wait3A_703 = tpu.memref_squeeze %dma_wait3A_702 : memref<1x128xi32, #tpu.memory_space<vmem>> -> memref<128xi32, #tpu.memory_space<vmem>>
    %dma_wait3A_704 = arith.constant 0 : i32
    %dma_wait3A_705 = arith.constant 0 : i32
    %dma_wait3A_706 = tpu.memref_slice %arg2[%dma_wait3A_704, %dma_wait3A_705] : memref<253952x128xf32, #tpu.memory_space<hbm>> -> memref<253952x128xf32, #tpu.memory_space<hbm>>
    tpu.wait_indirect_dma semaphore(%arg8 : memref<!tpu.dma_semaphore, #tpu.memory_space<semaphore_mem>>) src(%dma_wait3A_706 : memref<253952x128xf32, #tpu.memory_space<hbm>>) dst(%dma_wait3A_700 : memref<128x128xf32, #tpu.memory_space<vmem>>)
    %add3A_707 = arith.constant 384 : i32
    %add3A_708 = arith.addi %mul3A_2, %add3A_707 : i32
    %run_scoped3A_709 = arith.constant 3 : i32
    "tpu.region"() ({
      %run_scoped3A_710 = tpu.sem_alloc : memref<!tpu.dma_semaphore, #tpu.memory_space<semaphore_mem>>
      %dma_start3A_711 = arith.constant 0 : i32
      %dma_start3A_712 = arith.constant 0 : i32
      %dma_start3A_713 = tpu.memref_slice %arg7[%run_scoped3A_709, %dma_start3A_711, %dma_start3A_712] : memref<4x128x128xf32, #tpu.memory_space<vmem>> -> memref<1x128x128xf32, #tpu.memory_space<vmem>>
      %dma_start3A_714 = tpu.memref_squeeze %dma_start3A_713 : memref<1x128x128xf32, #tpu.memory_space<vmem>> -> memref<128x128xf32, #tpu.memory_space<vmem>>
      %dma_start3A_715 = arith.constant 0 : i32
      %dma_start3A_716 = tpu.memref_slice %arg4[%add3A_708, %dma_start3A_715] : memref<16384x128xf32, #tpu.memory_space<hbm>> -> memref<128x128xf32, #tpu.memory_space<hbm>>
      %dma_start3A_717 = arith.constant 0 : i32
      %dma_start3A_718 = tpu.memref_slice %arg4[%add3A_708, %dma_start3A_717] : memref<16384x128xf32, #tpu.memory_space<hbm>> -> memref<128x128xf32, #tpu.memory_space<hbm>>
      %dma_start3A_719 = arith.constant 0 : i32
      %dma_start3A_720 = arith.constant 0 : i32
      %dma_start3A_721 = tpu.memref_slice %arg7[%run_scoped3A_709, %dma_start3A_719, %dma_start3A_720] : memref<4x128x128xf32, #tpu.memory_space<vmem>> -> memref<1x128x128xf32, #tpu.memory_space<vmem>>
      %dma_start3A_722 = tpu.memref_squeeze %dma_start3A_721 : memref<1x128x128xf32, #tpu.memory_space<vmem>> -> memref<128x128xf32, #tpu.memory_space<vmem>>
      tpu.enqueue_dma source(%dma_start3A_722 : memref<128x128xf32, #tpu.memory_space<vmem>>) target(%dma_start3A_718 : memref<128x128xf32, #tpu.memory_space<hbm>>) target_semaphore(%run_scoped3A_710 : memref<!tpu.dma_semaphore, #tpu.memory_space<semaphore_mem>>)
      %dma_wait3A_723 = arith.constant 0 : i32
      %dma_wait3A_724 = arith.constant 0 : i32
      %dma_wait3A_725 = tpu.memref_slice %arg7[%run_scoped3A_709, %dma_wait3A_723, %dma_wait3A_724] : memref<4x128x128xf32, #tpu.memory_space<vmem>> -> memref<1x128x128xf32, #tpu.memory_space<vmem>>
      %dma_wait3A_726 = tpu.memref_squeeze %dma_wait3A_725 : memref<1x128x128xf32, #tpu.memory_space<vmem>> -> memref<128x128xf32, #tpu.memory_space<vmem>>
      %dma_wait3A_727 = arith.constant 0 : i32
      %dma_wait3A_728 = tpu.memref_slice %arg4[%add3A_708, %dma_wait3A_727] : memref<16384x128xf32, #tpu.memory_space<hbm>> -> memref<128x128xf32, #tpu.memory_space<hbm>>
      %dma_wait3A_729 = arith.constant 0 : i32
      %dma_wait3A_730 = tpu.memref_slice %arg4[%add3A_708, %dma_wait3A_729] : memref<16384x128xf32, #tpu.memory_space<hbm>> -> memref<128x128xf32, #tpu.memory_space<hbm>>
      %dma_wait3A_731 = arith.constant 0 : i32
      %dma_wait3A_732 = arith.constant 0 : i32
      %dma_wait3A_733 = tpu.memref_slice %arg7[%run_scoped3A_709, %dma_wait3A_731, %dma_wait3A_732] : memref<4x128x128xf32, #tpu.memory_space<vmem>> -> memref<1x128x128xf32, #tpu.memory_space<vmem>>
      %dma_wait3A_734 = tpu.memref_squeeze %dma_wait3A_733 : memref<1x128x128xf32, #tpu.memory_space<vmem>> -> memref<128x128xf32, #tpu.memory_space<vmem>>
      tpu.wait_dma2 semaphore(%run_scoped3A_710 : memref<!tpu.dma_semaphore, #tpu.memory_space<semaphore_mem>>) src(%dma_wait3A_734 : memref<128x128xf32, #tpu.memory_space<vmem>>) dst(%dma_wait3A_730 : memref<128x128xf32, #tpu.memory_space<hbm>>)
      tpu.yield
    }) : () -> ()
    return
  }
}

module attributes {stable_mosaic.version = 14 : i64} {
  func.func @_repack_body(%arg0: i32, %arg1: memref<64x32768xf32, #tpu.memory_space<vmem>>, %arg2: memref<8x64x128xf32, #tpu.memory_space<vmem>>, %arg3: memref<8192x128xf32, #tpu.memory_space<vmem>>) attributes {dimension_semantics = [#tpu.dimension_semantics<arbitrary>], iteration_bounds = array<i64: 31>, scalar_prefetch = 0 : i64, scratch_operands = 0 : i64, tpu.core_type = #tpu.core_type<tc>, window_params = [{transform_indices = @transform_0, window_bounds = array<i64: 64, 32768>}, {pipeline_mode = #tpu.pipeline_mode<synchronous>, transform_indices = @transform_1, window_bounds = array<i64: 8, 64, 128>}, {transform_indices = @transform_2, window_bounds = array<i64: 8192, 128>}]} {
    %get3A = arith.constant 0 : index
    %get3A_0 = arith.constant 0 : index
    %get3A_1 = vector.load %arg1[%get3A, %get3A_0] : memref<64x32768xf32, #tpu.memory_space<vmem>>, vector<64x8192xf32>
    %get3A_2 = arith.constant 0 : index
    %get3A_3 = arith.constant 0 : index
    %get3A_4 = arith.constant 0 : index
    %get3A_5 = vector.load %arg2[%get3A_2, %get3A_3, %get3A_4] : memref<8x64x128xf32, #tpu.memory_space<vmem>>, vector<1x64x128xf32>
    %get3A_6 = vector.shape_cast %get3A_5 : vector<1x64x128xf32> to vector<64x128xf32>
    %dot_general3A = arith.constant dense<0.000000e+00> : vector<8192x128xf32>
    %dot_general3A_7 = tpu.matmul %get3A_1, %get3A_6, %dot_general3A {dimension_numbers = #tpu.dot_dimension_numbers<[0], [0], [1], [1], [0, 1, 1, 1], [], []>, transpose_lhs_hint = false} : vector<64x8192xf32>, vector<64x128xf32>, vector<8192x128xf32> -> vector<8192x128xf32>
    %get3A_8 = arith.constant 1 : index
    %get3A_9 = arith.constant 0 : index
    %get3A_10 = arith.constant 0 : index
    %get3A_11 = vector.load %arg2[%get3A_8, %get3A_9, %get3A_10] : memref<8x64x128xf32, #tpu.memory_space<vmem>>, vector<1x64x128xf32>
    %get3A_12 = vector.shape_cast %get3A_11 : vector<1x64x128xf32> to vector<64x128xf32>
    %dot_general3A_13 = arith.constant dense<0.000000e+00> : vector<8192x128xf32>
    %dot_general3A_14 = tpu.matmul %get3A_1, %get3A_12, %dot_general3A_13 {dimension_numbers = #tpu.dot_dimension_numbers<[0], [0], [1], [1], [0, 1, 1, 1], [], []>, transpose_lhs_hint = false} : vector<64x8192xf32>, vector<64x128xf32>, vector<8192x128xf32> -> vector<8192x128xf32>
    %get3A_15 = arith.constant 0 : index
    %get3A_16 = arith.constant 8192 : index
    %get3A_17 = vector.load %arg1[%get3A_15, %get3A_16] : memref<64x32768xf32, #tpu.memory_space<vmem>>, vector<64x8192xf32>
    %get3A_18 = arith.constant 2 : index
    %get3A_19 = arith.constant 0 : index
    %get3A_20 = arith.constant 0 : index
    %get3A_21 = vector.load %arg2[%get3A_18, %get3A_19, %get3A_20] : memref<8x64x128xf32, #tpu.memory_space<vmem>>, vector<1x64x128xf32>
    %get3A_22 = vector.shape_cast %get3A_21 : vector<1x64x128xf32> to vector<64x128xf32>
    %dot_general3A_23 = arith.constant dense<0.000000e+00> : vector<8192x128xf32>
    %dot_general3A_24 = tpu.matmul %get3A_17, %get3A_22, %dot_general3A_23 {dimension_numbers = #tpu.dot_dimension_numbers<[0], [0], [1], [1], [0, 1, 1, 1], [], []>, transpose_lhs_hint = false} : vector<64x8192xf32>, vector<64x128xf32>, vector<8192x128xf32> -> vector<8192x128xf32>
    %get3A_25 = arith.constant 3 : index
    %get3A_26 = arith.constant 0 : index
    %get3A_27 = arith.constant 0 : index
    %get3A_28 = vector.load %arg2[%get3A_25, %get3A_26, %get3A_27] : memref<8x64x128xf32, #tpu.memory_space<vmem>>, vector<1x64x128xf32>
    %get3A_29 = vector.shape_cast %get3A_28 : vector<1x64x128xf32> to vector<64x128xf32>
    %dot_general3A_30 = arith.constant dense<0.000000e+00> : vector<8192x128xf32>
    %dot_general3A_31 = tpu.matmul %get3A_17, %get3A_29, %dot_general3A_30 {dimension_numbers = #tpu.dot_dimension_numbers<[0], [0], [1], [1], [0, 1, 1, 1], [], []>, transpose_lhs_hint = false} : vector<64x8192xf32>, vector<64x128xf32>, vector<8192x128xf32> -> vector<8192x128xf32>
    %add3A = arith.addf %dot_general3A_7, %dot_general3A_24 : vector<8192x128xf32>
    %add3A_32 = arith.addf %dot_general3A_14, %dot_general3A_31 : vector<8192x128xf32>
    %get3A_33 = arith.constant 0 : index
    %get3A_34 = arith.constant 16384 : index
    %get3A_35 = vector.load %arg1[%get3A_33, %get3A_34] : memref<64x32768xf32, #tpu.memory_space<vmem>>, vector<64x8192xf32>
    %get3A_36 = arith.constant 4 : index
    %get3A_37 = arith.constant 0 : index
    %get3A_38 = arith.constant 0 : index
    %get3A_39 = vector.load %arg2[%get3A_36, %get3A_37, %get3A_38] : memref<8x64x128xf32, #tpu.memory_space<vmem>>, vector<1x64x128xf32>
    %get3A_40 = vector.shape_cast %get3A_39 : vector<1x64x128xf32> to vector<64x128xf32>
    %dot_general3A_41 = arith.constant dense<0.000000e+00> : vector<8192x128xf32>
    %dot_general3A_42 = tpu.matmul %get3A_35, %get3A_40, %dot_general3A_41 {dimension_numbers = #tpu.dot_dimension_numbers<[0], [0], [1], [1], [0, 1, 1, 1], [], []>, transpose_lhs_hint = false} : vector<64x8192xf32>, vector<64x128xf32>, vector<8192x128xf32> -> vector<8192x128xf32>
    %get3A_43 = arith.constant 5 : index
    %get3A_44 = arith.constant 0 : index
    %get3A_45 = arith.constant 0 : index
    %get3A_46 = vector.load %arg2[%get3A_43, %get3A_44, %get3A_45] : memref<8x64x128xf32, #tpu.memory_space<vmem>>, vector<1x64x128xf32>
    %get3A_47 = vector.shape_cast %get3A_46 : vector<1x64x128xf32> to vector<64x128xf32>
    %dot_general3A_48 = arith.constant dense<0.000000e+00> : vector<8192x128xf32>
    %dot_general3A_49 = tpu.matmul %get3A_35, %get3A_47, %dot_general3A_48 {dimension_numbers = #tpu.dot_dimension_numbers<[0], [0], [1], [1], [0, 1, 1, 1], [], []>, transpose_lhs_hint = false} : vector<64x8192xf32>, vector<64x128xf32>, vector<8192x128xf32> -> vector<8192x128xf32>
    %add3A_50 = arith.addf %add3A, %dot_general3A_42 : vector<8192x128xf32>
    %add3A_51 = arith.addf %add3A_32, %dot_general3A_49 : vector<8192x128xf32>
    %get3A_52 = arith.constant 0 : index
    %get3A_53 = arith.constant 24576 : index
    %get3A_54 = vector.load %arg1[%get3A_52, %get3A_53] : memref<64x32768xf32, #tpu.memory_space<vmem>>, vector<64x8192xf32>
    %get3A_55 = arith.constant 6 : index
    %get3A_56 = arith.constant 0 : index
    %get3A_57 = arith.constant 0 : index
    %get3A_58 = vector.load %arg2[%get3A_55, %get3A_56, %get3A_57] : memref<8x64x128xf32, #tpu.memory_space<vmem>>, vector<1x64x128xf32>
    %get3A_59 = vector.shape_cast %get3A_58 : vector<1x64x128xf32> to vector<64x128xf32>
    %dot_general3A_60 = arith.constant dense<0.000000e+00> : vector<8192x128xf32>
    %dot_general3A_61 = tpu.matmul %get3A_54, %get3A_59, %dot_general3A_60 {dimension_numbers = #tpu.dot_dimension_numbers<[0], [0], [1], [1], [0, 1, 1, 1], [], []>, transpose_lhs_hint = false} : vector<64x8192xf32>, vector<64x128xf32>, vector<8192x128xf32> -> vector<8192x128xf32>
    %get3A_62 = arith.constant 7 : index
    %get3A_63 = arith.constant 0 : index
    %get3A_64 = arith.constant 0 : index
    %get3A_65 = vector.load %arg2[%get3A_62, %get3A_63, %get3A_64] : memref<8x64x128xf32, #tpu.memory_space<vmem>>, vector<1x64x128xf32>
    %get3A_66 = vector.shape_cast %get3A_65 : vector<1x64x128xf32> to vector<64x128xf32>
    %dot_general3A_67 = arith.constant dense<0.000000e+00> : vector<8192x128xf32>
    %dot_general3A_68 = tpu.matmul %get3A_54, %get3A_66, %dot_general3A_67 {dimension_numbers = #tpu.dot_dimension_numbers<[0], [0], [1], [1], [0, 1, 1, 1], [], []>, transpose_lhs_hint = false} : vector<64x8192xf32>, vector<64x128xf32>, vector<8192x128xf32> -> vector<8192x128xf32>
    %add3A_69 = arith.addf %add3A_50, %dot_general3A_61 : vector<8192x128xf32>
    %add3A_70 = arith.addf %add3A_51, %dot_general3A_68 : vector<8192x128xf32>
    %bitcast_convert_type3A = tpu.bitcast %add3A_69 : vector<8192x128xf32> -> vector<8192x128xi32>
    %bitcast_convert_type3A_71 = tpu.bitcast %add3A_70 : vector<8192x128xf32> -> vector<8192x128xi32>
    %shift_right_logical3A = arith.constant 16 : i32
    %shift_right_logical3A_72 = vector.broadcast %shift_right_logical3A : i32 to vector<8192x128xi32>
    %shift_right_logical3A_73 = arith.shrui %bitcast_convert_type3A_71, %shift_right_logical3A_72 : vector<8192x128xi32>
    %or3A = arith.ori %bitcast_convert_type3A, %shift_right_logical3A_73 : vector<8192x128xi32>
    %bitcast_convert_type3A_74 = tpu.bitcast %or3A : vector<8192x128xi32> -> vector<8192x128xf32>
    %swap3A = arith.constant 0 : index
    %swap3A_75 = arith.constant 0 : index
    %swap3A_76 = vector.load %arg3[%swap3A, %swap3A_75] : memref<8192x128xf32, #tpu.memory_space<vmem>>, vector<8192x128xf32>
    tpu.vector_store %arg3[%swap3A, %swap3A_75], %bitcast_convert_type3A_74 {strides = array<i32>} : memref<8192x128xf32, #tpu.memory_space<vmem>>, vector<8192x128xf32>,
    return
  }
  func.func @transform_0(%arg0: i32) -> (i32, i32) {
    %c0_i32 = arith.constant 0 : i32
    %c0_i32_0 = arith.constant 0 : i32
    return %c0_i32, %arg0 : i32, i32
  }
  func.func @transform_1(%arg0: i32) -> (i32, i32, i32) {
    %c0_i32 = arith.constant 0 : i32
    %c0_i32_0 = arith.constant 0 : i32
    %c0_i32_1 = arith.constant 0 : i32
    %c0_i32_2 = arith.constant 0 : i32
    return %c0_i32, %c0_i32_0, %c0_i32_1 : i32, i32, i32
  }
  func.func @transform_2(%arg0: i32) -> (i32, i32) {
    %c0_i32 = arith.constant 0 : i32
    %c0_i32_0 = arith.constant 0 : i32
    return %arg0, %c0_i32 : i32, i32
  }
}

module attributes {stable_mosaic.version = 14 : i64} {
  func.func @_combine_body(%arg0: i32, %arg1: memref<4096x128xf32, #tpu.memory_space<vmem>>, %arg2: memref<128x256xf32, #tpu.memory_space<vmem>>, %arg3: memref<1x256xf32, #tpu.memory_space<vmem>>, %arg4: memref<4096x128xf32, #tpu.memory_space<vmem>>, %arg5: memref<4096x1xi32, #tpu.memory_space<vmem>>, %arg6: memref<1x1x4096xf32, #tpu.memory_space<vmem>>) attributes {dimension_semantics = [#tpu.dimension_semantics<arbitrary>], iteration_bounds = array<i64: 4>, scalar_prefetch = 0 : i64, scratch_operands = 0 : i64, tpu.core_type = #tpu.core_type<tc>, window_params = [{transform_indices = @transform_0, window_bounds = array<i64: 4096, 128>}, {pipeline_mode = #tpu.pipeline_mode<synchronous>, transform_indices = @transform_1, window_bounds = array<i64: 128, 256>}, {pipeline_mode = #tpu.pipeline_mode<synchronous>, transform_indices = @transform_2, window_bounds = array<i64: 1, 256>}, {transform_indices = @transform_3, window_bounds = array<i64: 4096, 128>}, {transform_indices = @transform_4, window_bounds = array<i64: 4096, 1>}, {transform_indices = @transform_5, window_bounds = array<i64: 1, 1, 4096>}]} {
    %get3A = arith.constant 0 : index
    %get3A_0 = arith.constant 0 : index
    %get3A_1 = vector.load %arg1[%get3A, %get3A_0] : memref<4096x128xf32, #tpu.memory_space<vmem>>, vector<4096x128xf32>
    %get3A_2 = arith.constant 0 : index
    %get3A_3 = arith.constant 0 : index
    %get3A_4 = vector.load %arg2[%get3A_2, %get3A_3] : memref<128x256xf32, #tpu.memory_space<vmem>>, vector<128x256xf32>
    %dot_general3A = arith.constant dense<0.000000e+00> : vector<4096x256xf32>
    %dot_general3A_5 = tpu.matmul %get3A_1, %get3A_4, %dot_general3A {dimension_numbers = #tpu.dot_dimension_numbers<[1], [0], [0], [1], [0, 0, 1, 1], [], []>, transpose_lhs_hint = false} : vector<4096x128xf32>, vector<128x256xf32>, vector<4096x256xf32> -> vector<4096x256xf32>
    %get3A_6 = arith.constant 0 : index
    %get3A_7 = arith.constant 0 : index
    %get3A_8 = vector.load %arg3[%get3A_6, %get3A_7] : memref<1x256xf32, #tpu.memory_space<vmem>>, vector<1x256xf32>
    %add3A = vector.broadcast %get3A_8 : vector<1x256xf32> to vector<4096x256xf32>
    %add3A_9 = arith.addf %dot_general3A_5, %add3A : vector<4096x256xf32>
    %slice3A = vector.extract_strided_slice %add3A_9 {offsets = [0, 0], sizes = [4096, 128], strides = [1, 1]} : vector<4096x256xf32> to vector<4096x128xf32>
    %slice3A_10 = vector.extract_strided_slice %add3A_9 {offsets = [0, 128], sizes = [4096, 128], strides = [1, 1]} : vector<4096x256xf32> to vector<4096x128xf32>
    %get3A_11 = arith.constant 0 : index
    %get3A_12 = arith.constant 0 : index
    %get3A_13 = vector.load %arg4[%get3A_11, %get3A_12] : memref<4096x128xf32, #tpu.memory_space<vmem>>, vector<4096x128xf32>
    %bitcast_convert_type3A = tpu.bitcast %get3A_13 : vector<4096x128xf32> -> vector<4096x128xi32>
    %and3A = arith.constant -65536 : i32
    %and3A_14 = vector.broadcast %and3A : i32 to vector<4096x128xi32>
    %and3A_15 = arith.andi %bitcast_convert_type3A, %and3A_14 : vector<4096x128xi32>
    %bitcast_convert_type3A_16 = tpu.bitcast %and3A_15 : vector<4096x128xi32> -> vector<4096x128xf32>
    %shift_left3A = arith.constant 16 : i32
    %shift_left3A_17 = vector.broadcast %shift_left3A : i32 to vector<4096x128xi32>
    %shift_left3A_18 = arith.shli %bitcast_convert_type3A, %shift_left3A_17 : vector<4096x128xi32>
    %bitcast_convert_type3A_19 = tpu.bitcast %shift_left3A_18 : vector<4096x128xi32> -> vector<4096x128xf32>
    %get3A_20 = arith.constant 0 : index
    %get3A_21 = arith.constant 0 : index
    %get3A_22 = vector.load %arg5[%get3A_20, %get3A_21] : memref<4096x1xi32, #tpu.memory_space<vmem>>, vector<4096x1xi32>
    %and3A_23 = arith.constant 32767 : i32
    %and3A_24 = vector.broadcast %and3A_23 : i32 to vector<4096x1xi32>
    %and3A_25 = arith.andi %get3A_22, %and3A_24 : vector<4096x1xi32>
    %shift_right_arithmetic3A = arith.constant 13 : i32
    %shift_right_arithmetic3A_26 = vector.broadcast %shift_right_arithmetic3A : i32 to vector<4096x1xi32>
    %shift_right_arithmetic3A_27 = arith.shrsi %and3A_25, %shift_right_arithmetic3A_26 : vector<4096x1xi32>
    %iota3A = tpu.iota {dimensions = array<i32: 1>} : vector<4096x128xi32>
    %shift_right_arithmetic3A_28 = arith.constant 5 : i32
    %shift_right_arithmetic3A_29 = vector.broadcast %shift_right_arithmetic3A_28 : i32 to vector<4096x128xi32>
    %shift_right_arithmetic3A_30 = arith.shrsi %iota3A, %shift_right_arithmetic3A_29 : vector<4096x128xi32>
    %eq3A = vector.broadcast %shift_right_arithmetic3A_27 : vector<4096x1xi32> to vector<4096x128xi32>
    %eq3A_31 = arith.cmpi eq, %shift_right_arithmetic3A_30, %eq3A : vector<4096x128xi32>
    %jit3A = arith.constant 1.000000e+00 : f32
    %jit3A_32 = arith.constant 0.000000e+00 : f32
    %broadcast_in_dim3A = vector.broadcast %jit3A : f32 to vector<4096x128xf32>
    %broadcast_in_dim3A_33 = vector.broadcast %jit3A_32 : f32 to vector<4096x128xf32>
    %select_n3A = arith.select %eq3A_31, %broadcast_in_dim3A, %broadcast_in_dim3A_33 : vector<4096x128xi1>, vector<4096x128xf32>
    %mul3A = arith.mulf %bitcast_convert_type3A_16, %slice3A : vector<4096x128xf32>
    %mul3A_34 = arith.mulf %bitcast_convert_type3A_19, %slice3A_10 : vector<4096x128xf32>
    %add3A_35 = arith.addf %mul3A, %mul3A_34 : vector<4096x128xf32>
    %mul3A_36 = arith.mulf %add3A_35, %select_n3A : vector<4096x128xf32>
    %broadcast_in_dim3A_37 = arith.constant 1.000000e+00 : f32
    %broadcast_in_dim3A_38 = vector.broadcast %broadcast_in_dim3A_37 : f32 to vector<1x128xf32>
    %dot_general3A_39 = arith.constant dense<0.000000e+00> : vector<1x4096xf32>
    %dot_general3A_40 = tpu.matmul %broadcast_in_dim3A_38, %mul3A_36, %dot_general3A_39 {dimension_numbers = #tpu.dot_dimension_numbers<[1], [1], [0], [0], [0, 0, 1, 0], [], []>, precision = #tpu.contract_precision<fp32>, transpose_lhs_hint = false} : vector<1x128xf32>, vector<4096x128xf32>, vector<1x4096xf32> -> vector<1x4096xf32>
    %broadcast_in_dim3A_41 = vector.shape_cast %dot_general3A_40 : vector<1x4096xf32> to vector<1x1x4096xf32>
    %swap3A = arith.constant 0 : index
    %swap3A_42 = arith.constant 0 : index
    %swap3A_43 = arith.constant 0 : index
    %swap3A_44 = vector.load %arg6[%swap3A, %swap3A_42, %swap3A_43] : memref<1x1x4096xf32, #tpu.memory_space<vmem>>, vector<1x1x4096xf32>
    tpu.vector_store %arg6[%swap3A, %swap3A_42, %swap3A_43], %broadcast_in_dim3A_41 {strides = array<i32>} : memref<1x1x4096xf32, #tpu.memory_space<vmem>>, vector<1x1x4096xf32>,
    return
  }
  func.func @transform_0(%arg0: i32) -> (i32, i32) {
    %c0_i32 = arith.constant 0 : i32
    %c0_i32_0 = arith.constant 0 : i32
    return %arg0, %c0_i32 : i32, i32
  }
  func.func @transform_1(%arg0: i32) -> (i32, i32) {
    %c0_i32 = arith.constant 0 : i32
    %c0_i32_0 = arith.constant 0 : i32
    %c0_i32_1 = arith.constant 0 : i32
    return %c0_i32, %c0_i32_0 : i32, i32
  }
  func.func @transform_2(%arg0: i32) -> (i32, i32) {
    %c0_i32 = arith.constant 0 : i32
    %c0_i32_0 = arith.constant 0 : i32
    %c0_i32_1 = arith.constant 0 : i32
    return %c0_i32, %c0_i32_0 : i32, i32
  }
  func.func @transform_3(%arg0: i32) -> (i32, i32) {
    %c0_i32 = arith.constant 0 : i32
    %c0_i32_0 = arith.constant 0 : i32
    return %arg0, %c0_i32 : i32, i32
  }
  func.func @transform_4(%arg0: i32) -> (i32, i32) {
    %c0_i32 = arith.constant 0 : i32
    %c0_i32_0 = arith.constant 0 : i32
    return %arg0, %c0_i32 : i32, i32
  }
  func.func @transform_5(%arg0: i32) -> (i32, i32, i32) {
    %c0_i32 = arith.constant 0 : i32
    %c0_i32_0 = arith.constant 0 : i32
    %c0_i32_1 = arith.constant 0 : i32
    return %arg0, %c0_i32, %c0_i32_0 : i32, i32, i32
  }
}

</mosaic_0001>

<sc_bundles>
// kernel: kernel.5.cloned.1.call-start
scs
__scs_entry_jumppad:
0x0: {  	(pc) =	sbr.rel $0x88, $3  }
0x1: {  	(tag) =	ssettag $0x0;
	lr =	simm.s32 $0x1  }
0x2: {  	[smem:$0x3F9C] =	sst lr;
	_ =	strace $0xD0000000  }
0x3: {  	_ = 	snop  }
0x4: {  	_ = 	snop  }
0x5: {  	_ = 	snop  }
0x6: {  	_ = 	snop  }
0x7: {  	_ = 	snop  }
__scs_overlays_trampoline_lowered:
0x8: {  	[smem:$0x3FAB] =	sst s0  }
0x9: {  	[smem:$0x3FAC] =	sst s1  }
0xa: {  	[smem:$0x3FAD] =	sst s2  }
0xb: {  	[smem:$0x3FAE] =	sst s3  }
0xc: {  	[smem:$0x3FAF] =	sst s4  }
0xd: {  	[smem:$0x3FB0] =	sst s5  }
0xe: {  	[smem:$0x3FB1] =	sst s6  }
0xf: {  	[smem:$0x3FB2] =	sst s7  }
0x10: {  	[smem:$0x3FB3] =	sst s8  }
0x11: {  	[smem:$0x3FB4] =	sst s9;
	s0 =	simm.s32 @!p0 $0x0  }
0x12: {  	s1 =	sld [smem:$0x3F9A];
	s0 =	simm.s32 @p0 $0x1  }
0x13: {  	[smem:$0x3FB5] =	sst s0;
	s0 =	simm.s32 @!p1 $0x0  }
0x14: {  	s2 =	sld [smem:$0x3F99];
	s0 =	simm.s32 @p1 $0x1  }
0x15: {  	[smem:$0x3FB6] =	sst s0;
	s0 =	simm.s32 @!p2 $0x0  }
0x16: {  	s3 =	sld [smem:$0x3FDB];
	s0 =	simm.s32 @p2 $0x1  }
0x17: {  	s4 =	simm.s32 $0x1BF5;
	[smem:$0x3FB8] =	sst s0  }
0x18: {  	s0 =	sld [smem:$0x3F9B];
	_ =	swait.ge [sflag:s4], $0x0  }
0x19: {  	s7 =	sld [smem:$0x3F9C]  }
0x1a: {  	s8 =	sadd.s32 $0xFFFFE003, lr  }
0x1b: {  	s9 =	sadd.s32 $0xFFFFFEF7, lr;
	s5 =	simm.s32 $0xFFFFFFFF;
	p2 =	slt.u32 s8, $0xFFFFF086  }
0x1c: {  	p1 =	slt.u32 s9, $0xF7A;
	s5 =	simm.s32 @!p2 $0x0  }
0x1d: {  	s5 =	simm.s32 @p1 $0x1;
	p0 =	seq.s32 s7, s2  }
0x1e: {  	s7 =	smul.u32 @!p0 $0xF7A, s2;
	p2 =	seq.s32 @!p0 s5, $0x0  }
0x1f: {  	s9 =	smul.u32 $0xF7A, s1;
	s8 =	simm.s32 @!p0 $0x1BF5;
	p2 =	por !p2, p0  }
0x20: {  	[sflag:s8] =	ssyncset.s32 @!p0 $0xFFFFF086;
	s6 =	sadd.s32 @!p0 s3, s7;
	s7 =	simm.s32 @!p0 $0x108  }
0x21: {  	s3 =	sadd.s32 s3, s9;
	s6 =	sadd.s32 @!p0 $0x88, s6;
	s7 =	simm.s32 @p2 $0x1082  }
0x22: {  	[simem:s7], [sflag:s8] =	dma.local @!p0 [hbm:s6], $0xF7A  }
0x23: {  	s9 =	sor.u32 $0xD0000000, s2;
	s6 =	simm.s32 $0x108;
	_ =	swait.ge @!p0 [sflag:s8], $0x0  }
0x24: {  	s3 =	sadd.s32 $0x88, s3;
	s6 =	simm.s32 @!p1 $0x1082;
	[sflag:s4] =	ssyncset.s32 $0xFFFFF086  }
0x25: {  	[simem:s6], [sflag:s4] =	dma.local [hbm:s3], $0xF7A  }
0x26: {  	[smem:$0x3F9C] =	sst s1;
	(tag) =	ssettag s2;
	_ =	strace s9  }
0x27: {  	s1 =	sld [smem:$0x3FAC]  }
0x28: {  	s2 =	sld [smem:$0x3FAD]  }
0x29: {  	s4 =	sld [smem:$0x3FAF]  }
0x2a: {  	p0 =	seq.s32 s5, $0x0;
	s5 =	sld [smem:$0x3FB0]  }
0x2b: {  	s6 =	sld [smem:$0x3FB1]  }
0x2c: {  	s7 =	sld [smem:$0x3FB2]  }
0x2d: {  	s3 =	simm.s32 $0x108;
	s8 =	sld [smem:$0x3FB3]  }
0x2e: {  	s3 =	simm.s32 @!p0 $0x1082;
	s9 =	sld [smem:$0x3FB4]  }
0x2f: {  	lr =	sadd.s32 s0, s3;
	s0 =	sld [smem:$0x3FAB]  }
0x30: {  	s3 =	sld [smem:$0x3FAE]  }
0x31: {  	[smem:$0x3FB7] =	sst s10  }
0x32: {  	s10 =	sld [smem:$0x3FB5];
	_ =	sdelay $0x3  }
0x33: {  	p0 =	seq.s32 s10, $0x1;
	s10 =	sld [smem:$0x3FB7];
	_ =	sdelay $0x3  }
0x34: {  	[smem:$0x3FB7] =	sst s10  }
0x35: {  	s10 =	sld [smem:$0x3FB6];
	_ =	sdelay $0x3  }
0x36: {  	p1 =	seq.s32 s10, $0x1;
	s10 =	sld [smem:$0x3FB7];
	_ =	sdelay $0x3  }
0x37: {  	[smem:$0x3FB7] =	sst s10  }
0x38: {  	s10 =	sld [smem:$0x3FB8]  }
0x39: {  	_ = 	snop;
	(pc) =	sbr.ind lr, $3  }
0x3a: {  	_ = 	snop  }
0x3b: {  	_ = 	snop  }
0x3c: {  	p2 =	seq.s32 s10, $0x1;
	s10 =	sld [smem:$0x3FB7]  }
0x3d: {  	_ =	shalt  }
0x3e: {  	_ =	shalt  }
0x3f: {  	_ =	shalt  }
0x40: {  	_ =	shalt  }
0x41: {  	_ =	shalt  }
0x42: {  	_ =	shalt  }
0x43: {  	_ =	shalt  }
0x44: {  	_ =	shalt  }
0x45: {  	_ =	shalt  }
0x46: {  	_ =	shalt  }
0x47: {  	_ =	shalt  }
0x48: {  	_ =	shalt  }
0x49: {  	_ =	shalt  }
0x4a: {  	_ =	shalt  }
0x4b: {  	_ =	shalt  }
0x4c: {  	_ =	shalt  }
0x4d: {  	_ =	shalt  }
0x4e: {  	_ =	shalt  }
0x4f: {  	_ =	shalt  }
0x50: {  	_ =	shalt  }
0x51: {  	_ =	shalt  }
0x52: {  	_ =	shalt  }
0x53: {  	_ =	shalt  }
0x54: {  	_ =	shalt  }
0x55: {  	_ =	shalt  }
0x56: {  	_ =	shalt  }
0x57: {  	_ =	shalt  }
0x58: {  	_ =	shalt  }
0x59: {  	_ =	shalt  }
0x5a: {  	_ =	shalt  }
0x5b: {  	_ =	shalt  }
0x5c: {  	_ =	shalt  }
0x5d: {  	_ =	shalt  }
0x5e: {  	_ =	shalt  }
0x5f: {  	_ =	shalt  }
0x60: {  	_ =	shalt  }
0x61: {  	_ =	shalt  }
0x62: {  	_ =	shalt  }
0x63: {  	_ =	shalt  }
0x64: {  	_ =	shalt  }
0x65: {  	_ =	shalt  }
0x66: {  	_ =	shalt  }
0x67: {  	_ =	shalt  }
0x68: {  	_ =	shalt  }
0x69: {  	_ =	shalt  }
0x6a: {  	_ =	shalt  }
0x6b: {  	_ =	shalt  }
0x6c: {  	_ =	shalt  }
0x6d: {  	_ =	shalt  }
0x6e: {  	_ =	shalt  }
0x6f: {  	_ =	shalt  }
0x70: {  	_ =	shalt  }
0x71: {  	_ =	shalt  }
0x72: {  	_ =	shalt  }
0x73: {  	_ =	shalt  }
0x74: {  	_ =	shalt  }
0x75: {  	_ =	shalt  }
0x76: {  	_ =	shalt  }
0x77: {  	_ =	shalt  }
0x78: {  	_ =	shalt  }
0x79: {  	_ =	shalt  }
0x7a: {  	_ =	shalt  }
0x7b: {  	_ =	shalt  }
0x7c: {  	_ =	shalt  }
0x7d: {  	_ =	shalt  }
0x7e: {  	_ =	shalt  }
0x7f: {  	_ =	shalt  }
0x80: {  	_ =	shalt  }
0x81: {  	_ =	shalt  }
0x82: {  	_ =	shalt  }
0x83: {  	_ =	shalt  }
0x84: {  	_ =	shalt  }
0x85: {  	_ =	shalt  }
0x86: {  	_ =	shalt  }
0x87: {  	_ =	shalt  }
.Lfunc_end0:
.L_simem_size_0:
called_computation_lowered:
.L_overlay_start_0:
0x88: {  	s2 =	sld [smem:$0x3FD9]  }
0x89: {  	s3 =	sld [smem:$0x3FFE];
	_ =	sdelay $0x1  }
0x8a: {  	s1 =	srdreg.scid  }
0x8b: {  	s0 =	sand.u32 $0x1, s1  }
0x8c: {  	s17 =	sshll.u32 s0, $0xA;
	s2 =	sadd.s32 s3, s2  }
0x8d: {  	s2 =	sadd.s32 s2, s17  }
0x8e: {  	[smem:$0x3FC3] =	sst s2  }
0x8f: {  	_ = 	snop  }
0x90: {  	s2 =	sld [smem:$0x3FC9];
	(tm) =	ssettm $0x1  }
0x91: {  	s18 =	sld [smem:$0x3FFB];
	_ =	sdelay $0x3  }
0x92: {  	_ =	strace s18  }
0x93: {  	s3 =	sld [smem:$0x3FFC];
	_ =	sdelay $0x3  }
0x94: {  	_ =	strace s3  }
0x95: {  	s3 =	sld [smem:$0x3FFD];
	_ =	sdelay $0x3  }
0x96: {  	_ =	strace s3  }
0x97: {  	_ =	strace $0x8FFFFFFF  }
0x98: {  	s19 =	sld [smem:$0x3FDB];
	_ =	sdelay $0x1  }
0x99: {  	s4 =	simm.s32 $_scs_section_size  }
0x9a: {  	s5 =	simm.s32 $_size__tile_overlayer_lowered;
	s6 =	simm.s32 $_tile_overlayer_lowered  }
0x9b: {  	s22 =	simm.s32 $0x1BFF;
	s21 =	sshll.u32 s6, $0x1;
	s3 =	sadd.s32 s4, s19  }
0x9c: {  	s7 =	simm.s32 $0x0;
	s20 =	sshll.u32 s5, $0x1;
	s5 =	sadd.s32 s21, s3  }
0x9d: {  	[timem:s7], [sflag:s22] =	dma.local [hbm:s5], s20  }
0x9e: {  	_ =	swait.ge [sflag:s22], s20  }
0x9f: {  	s4 =	ssub.s32 $0x0, s20;
	[sflag:s22] =	ssyncset.done $0x0  }
0xa0: {  	[sflag:s22] =	ssyncadd.s32 s4;
	_ =	sdelay $0x1  }
0xa1: {  	s23 =	simm.s32 $0x1B8B  }
0xa2: {  	_ =	swait.ge [sflag:s23], $0x1  }
0xa3: {  	[sflag:s23] =	ssyncset.done $0x0  }
0xa4: {  	s25 =	simm.s32 $0x1B8E;
	s24 =	sld [smem:$0x3FFE];
	[sflag:s23] =	ssyncadd.s32 $0xFFFFFFFF  }
0xa5: {  	s26 =	simm.s32 $execute0_lowered;
	[smem:$0x3FD2] =	sst s25  }
0xa6: {  	s5 =	sshll.u32 s26, $0x1;
	_ =	strace $0x80000046;
	[dreg:$0x1] =	wrdreg $0xFFFFFFFF  }
0xa7: {  	s28 =	simm.s32 $_size_execute0_lowered;
	s3 =	sadd.s32 s3, s5;
	[dreg:$0x0] =	wrdreg $0x0  }
0xa8: {  	s5 =	sshll.u32 s28, $0x1;
	[dreg:$0x2] =	wrdreg s3  }
0xa9: {  	[dreg:$0x3] =	wrdreg s5  }
0xaa: {  	[dreg:$0x4] =	wrdreg $0xC0  }
0xab: {  	_ =	task [dreg:s7], $0x5FFFF  }
0xac: {  	[dreg:$0x1] =	wrdreg $0xFFFFFFFF  }
0xad: {  	[dreg:$0x0] =	wrdreg $0x60  }
0xae: {  	[dreg:$0x2] =	wrdreg s24  }
0xaf: {  	[dreg:$0x3] =	wrdreg s2  }
0xb0: {  	[dreg:$0x4] =	wrdreg $0x9  }
0xb1: {  	_ =	task.clear_ibuf [dreg:s7], $0x5FFFF;
	_ =	strace $0x90000046  }
0xb2: {  	s29 =	simm.s32 $0x9;
	_ =	strace $0x80000048  }
0xb3: {  	_ =	swait.ge [sflag:s29], $0x1  }
0xb4: {  	[sflag:s29] =	ssyncadd.s32 $0xFFFFFFFF  }
0xb5: {  	_ =	strace $0x90000048  }
0xb6: {  	_ =	sfence  }
0xb7: {  	s30 =	sld [smem:$0x0];
	_ =	sdelay $0x2  }
0xb8: {  	s31 =	sshll.u32 s1, $0xD;
	s1 =	sshrl.u32 s1, $0x2  }
0xb9: {  	s3 =	sand.u32 $0x4000, s31;
	s1 =	sadd.s32 s1, s30  }
0xba: {  	s0 =	sor.u32 s3, s0;
	s1 =	sshll.u32 s1, $0x11  }
0xbb: {  	s0 =	sor.u32 s1, s0  }
0xbc: {  	s0 =	sadd.s32 $0x8F2B, s0  }
0xbd: {  	[sflag:s0] =	ssyncadd.remote.s32 $0x1  }
0xbe: {  	_ =	sfence.sel $0xFFFF  }
0xbf: {  	[dreg:$0x0] =	wrdreg $0xFFFFFFFF;
	(pc) =	sbr.abs _section_cstart, $3  }
0xc0: {  	[dreg:$0x1] =	wrdreg $0xFFFFFFFF  }
0xc1: {  	_ =	task.clear_ibuf [dreg:s7], $0x2FFFF;
	_ =	strace $0x9FFFFFFF  }
0xc2: {  	(tm) =	ssettm $0x7FFFFFFF  }
0xc3: {  	_ =	shalt  }
tec
execute0_lowered:
.L_overlay_start_1:
0x0: {  	(tag) =	ssettag $0x1  }
0x1: {  	s3 =	rddreg [dreg:$0x0]  }
0x2: {  	s4 =	rddreg [dreg:$0x1]  }
0x3: {  	s0 =	rddreg [dreg:$0x2]  }
0x4: {  	s2 =	simm.s32 $0x0;
	s5 =	srdreg.scid;
	s1 =	stileid.u32  }
0x5: {  	s14 =	simm.s32 $0x80;
	s15 =	simm.s32 $0x200;
	s5 =	sand.u32 $0x1, s5  }
0x6: {  	[smem:$0x7FF] =	sst s2;
	s6 =	sshll.u32 s1, $0xA;
	s8 =	sshll.u32 s5, $0x9  }
0x7: {  	s7 =	sadd.s32 $0x1800, s3;
	s5 =	ssub.s32 $0x2, s5;
	s6 =	sor.u32 s8, s6  }
0x8: {  	_ =	strace $0x80000047;
	s9 =	sshrl.u32 s5, $0x1;
	s8 =	sshll.u32 s6, $0x4  }
0x9: {  	s6 =	sshrl.u32 s6, $0x3;
	s9 =	ssub.s32 s5, s9;
	s10 =	sadd.s32 s8, s3  }
0xa: {  	s19 =	sadd.s32 s4, s6;
	s3 =	simm.s32 $0x2;
	s20 =	smax.u32 s9, $0x1  }
0xb: {  	[tilespmem:s2], [sflag:$0x2] =	stream.linear.gather [hbm4b:s19+s2], $0x200, $0x38;
	[tilespmem:$0x10400] =	vst v63  }
0xc: {  	s13 =	simm.s32 $0x400;
	p0 =	sne.s32 s20, $0x1;
	_ =	swait.ge [sflag:s3], $0x200  }
.Ltmp0:
0xd: {  	s16 =	simm.s32 $0x280;
	[sflag:s3] =	ssyncset.done $0x0;
	(pc) =	sbr.rel @!p0 .LBB2_2-.Ltmp0, $4  }
0xe: {  	s12 =	simm.s32 $0x4400;
	s17 =	simm.s32 $0x300;
	[sflag:s3] =	ssyncadd.s32 $0xFFFFFE00  }
0xf: {  	s11 =	simm.s32 $0x8400;
	s18 =	simm.s32 $0x380;
	s8 =	sadd.s32 $0x3E1800, s10;
	v2 =	vld [tilespmem:$0x1C0]  }
0x10: {  	s9 =	simm.s32 $0xC400;
	s6 =	sadd.s32 $0x3E2000, s10;
	s5 =	sadd.s32 $0x3E2800, s10;
	v0 =	vld [tilespmem:$0x1D0]  }
0x11: {  	s4 =	sadd.s32 $0x3E3000, s10;
	s10 =	simm.s32 $0x1;
	s20 =	sadd.s32 $0xFFFFFFFF, s20;
	v1 =	vld [tilespmem:$0x1E0]  }
.LBB2_1:
0x12: {  	p0 =	sne.s32 s20, $0x1;
	s20 =	sadd.s32 $0xFFFFFFFF, s20  }
0x13: {  	v3 =	vld [tilespmem:$0x1B0]  }
0x14: {  	v4 =	vshrl.u32 v2, $0x2;
	v2 =	vand.u32 $0x1FFF, v2  }
0x15: {  	v5 =	vld [tilespmem:$0x80];
	v4 =	vand.u32 $0x3FFFE000, v4;
	v6 =	vshrl.u32 v0, $0x2;
	v0 =	vand.u32 $0x1FFF, v0  }
0x16: {  	v7 =	vld [tilespmem:$0x30];
	v2 =	vor.u32 v2, v4;
	v4 =	vand.u32 $0x3FFFE000, v6;
	v6 =	vshrl.u32 v1, $0x2  }
0x17: {  	v1 =	vand.u32 $0x1FFF, v1;
	v8 =	vld [tilespmem:$0x70];
	v0 =	vor.u32 v0, v4;
	v4 =	vand.u32 $0x3FFFE000, v6  }
0x18: {  	v6 =	vld [tilespmem:$0x60];
	v9 =	vshrl.u32 v3, $0x2;
	v1 =	vor.u32 v1, v4  }
0x19: {  	v3 =	vand.u32 $0x1FFF, v3;
	v4 =	vld [tilespmem:$0x20];
	v9 =	vand.u32 $0x3FFFE000, v9  }
0x1a: {  	v10 =	vshrl.u32 v5, $0x2;
	v5 =	vand.u32 $0x1FFF, v5;
	v11 =	vld [tilespmem:$0xC0];
	v3 =	vor.u32 v3, v9  }
0x1b: {  	v9 =	vshrl.u32 v7, $0x2;
	v7 =	vand.u32 $0x1FFF, v7;
	v12 =	vld [tilespmem:$0x50];
	v10 =	vand.u32 $0x3FFFE000, v10  }
0x1c: {  	v13 =	vld [tilespmem:$0x10];
	v9 =	vand.u32 $0x3FFFE000, v9;
	v14 =	vand.u32 $0x1FFF, v8;
	v5 =	vor.u32 v5, v10;
	[tilespmem:$0x3E0] =	vst v1  }
0x1d: {  	v8 =	vshrl.u32 v8, $0x2;
	v1 =	vor.u32 v7, v9;
	v7 =	vshrl.u32 v6, $0x2;
	[tilespmem:$0x3B0] =	vst v3  }
0x1e: {  	v3 =	vshrl.u32 v4, $0x2;
	v4 =	vand.u32 $0x1FFF, v4;
	v7 =	vand.u32 $0x3FFFE000, v7;
	v9 =	vld [tilespmem:$0x90]  }
0x1f: {  	v8 =	vand.u32 $0x3FFFE000, v8;
	v3 =	vand.u32 $0x3FFFE000, v3;
	v10 =	vld [tilespmem:$0x40];
	[tilespmem:$0x280] =	vst v5;
	v5 =	vand.u32 $0x1FFF, v11  }
0x20: {  	v15 =	vld [tilespmem:$0x0];
	v3 =	vor.u32 v4, v3;
	[tilespmem:$0x230] =	vst v1;
	v1 =	vand.u32 $0x1FFF, v12;
	v4 =	vor.u32 v14, v8  }
0x21: {  	v8 =	vshrl.u32 v13, $0x2;
	[tilespmem:$0x220] =	vst v3;
	v3 =	vand.u32 $0x1FFF, v6;
	v6 =	vshrl.u32 v11, $0x2  }
0x22: {  	v11 =	vshrl.u32 v12, $0x2;
	v8 =	vand.u32 $0x3FFFE000, v8;
	v12 =	vld [tilespmem:$0xB0];
	v6 =	vand.u32 $0x3FFFE000, v6;
	[tilespmem:$0x3C0] =	vst v2  }
0x23: {  	v2 =	vand.u32 $0x1FFF, v13;
	[tilespmem:$0x270] =	vst v4;
	v4 =	vand.u32 $0x1FFF, v9;
	v13 =	vld [tilespmem:$0xA0];
	v5 =	vor.u32 v5, v6  }
0x24: {  	v3 =	vor.u32 v3, v7;
	v2 =	vor.u32 v2, v8;
	v6 =	vand.u32 $0x3FFFE000, v11;
	[tilespmem:$0x2C0] =	vst v5;
	v5 =	vld [tilespmem:$0x130]  }
0x25: {  	v8 =	vshrl.u32 v10, $0x2;
	v10 =	vand.u32 $0x1FFF, v10;
	v7 =	vshrl.u32 v15, $0x2;
	[tilespmem:$0x260] =	vst v3;
	v3 =	vld [tilespmem:$0x110]  }
0x26: {  	v9 =	vshrl.u32 v9, $0x2;
	v8 =	vand.u32 $0x3FFFE000, v8;
	v7 =	vand.u32 $0x3FFFE000, v7;
	v11 =	vld [tilespmem:$0x100]  }
0x27: {  	v14 =	vand.u32 $0x1FFF, v15;
	v8 =	vor.u32 v10, v8;
	v10 =	vand.u32 $0x1FFF, v12;
	v15 =	vld [tilespmem:$0x1A0]  }
0x28: {  	v1 =	vor.u32 v1, v6;
	v6 =	vand.u32 $0x3FFFE000, v9;
	[tilespmem:$0x240] =	vst v8;
	v8 =	vshrl.u32 v12, $0x2;
	v9 =	vld [tilespmem:$0x120]  }
0x29: {  	v12 =	vand.u32 $0x1FFF, v13;
	[tilespmem:$0x210] =	vst v2;
	v2 =	vshrl.u32 v13, $0x2;
	v13 =	vld [tilespmem:$0xF0];
	v16 =	vand.u32 $0x1FFF, v5  }
0x2a: {  	v5 =	vshrl.u32 v5, $0x2;
	[tilespmem:$0x250] =	vst v1;
	v1 =	vand.u32 $0x3FFFE000, v2;
	v2 =	vand.u32 $0x3FFFE000, v8;
	v8 =	vld [tilespmem:$0xD0]  }
0x2b: {  	v7 =	vor.u32 v14, v7;
	v1 =	vor.u32 v12, v1;
	v2 =	vor.u32 v10, v2  }
0x2c: {  	v4 =	vor.u32 v4, v6;
	v6 =	vshrl.u32 v11, $0x2;
	v10 =	vand.u32 $0x1FFF, v11  }
0x2d: {  	v12 =	vshrl.u32 v15, $0x2;
	[tilespmem:$0x200] =	vst v7;
	v7 =	vshrl.u32 v3, $0x2;
	v3 =	vand.u32 $0x1FFF, v3;
	v11 =	vld [tilespmem:$0x180]  }
0x2e: {  	v6 =	vand.u32 $0x3FFFE000, v6;
	[tilespmem:$0x2A0] =	vst v1;
	v1 =	vld [tilespmem:$0xE0];
	v14 =	vshrl.u32 v13, $0x2;
	v7 =	vand.u32 $0x3FFFE000, v7  }
0x2f: {  	v5 =	vand.u32 $0x3FFFE000, v5;
	v17 =	vand.u32 $0x1FFF, v9;
	[tilespmem:$0x2B0] =	vst v2;
	v2 =	vshrl.u32 v8, $0x2;
	v18 =	vld [tilespmem:$0x190]  }
0x30: {  	v5 =	vor.u32 v16, v5;
	v13 =	vand.u32 $0x1FFF, v13;
	[tilespmem:$0x290] =	vst v4;
	v4 =	vand.u32 $0x3FFFE000, v14;
	v14 =	vld [tilespmem:$0x170]  }
0x31: {  	v9 =	vshrl.u32 v9, $0x2;
	v2 =	vand.u32 $0x3FFFE000, v2;
	v4 =	vor.u32 v13, v4;
	[tilespmem:$0x330] =	vst v5;
	v5 =	vld [tilespmem:$0x140]  }
0x32: {  	v8 =	vand.u32 $0x1FFF, v8;
	[tilespmem:$0x2F0] =	vst v4;
	v4 =	vand.u32 $0x3FFFE000, v9;
	v9 =	vand.u32 $0x1FFF, v11  }
0x33: {  	v6 =	vor.u32 v10, v6;
	v3 =	vor.u32 v3, v7;
	v7 =	vshrl.u32 v11, $0x2  }
0x34: {  	v10 =	vand.u32 $0x3FFFE000, v12;
	v11 =	vand.u32 $0x1FFF, v15;
	[tilespmem:$0x300] =	vst v6;
	v6 =	vand.u32 $0x1FFF, v18  }
0x35: {  	v12 =	vshrl.u32 v1, $0x2;
	v10 =	vor.u32 v11, v10;
	v13 =	vshrl.u32 v18, $0x2;
	[tilespmem:$0x310] =	vst v3;
	v3 =	vld [tilespmem:$0x150]  }
0x36: {  	v7 =	vand.u32 $0x3FFFE000, v7;
	v11 =	vand.u32 $0x3FFFE000, v12;
	v12 =	vand.u32 $0x3FFFE000, v13;
	[tilespmem:$0x3A0] =	vst v10;
	v10 =	vld [tilespmem:$0x1F0]  }
0x37: {  	v1 =	vand.u32 $0x1FFF, v1;
	v4 =	vor.u32 v17, v4;
	v15 =	vshrl.u32 v14, $0x2;
	v13 =	vld [tilespmem:$0x160]  }
0x38: {  	v14 =	vand.u32 $0x1FFF, v14;
	v15 =	vand.u32 $0x3FFFE000, v15;
	[tilespmem:$0x320] =	vst v4;
	v4 =	vshrl.u32 v5, $0x2  }
0x39: {  	v14 =	vor.u32 v14, v15;
	v5 =	vand.u32 $0x1FFF, v5;
	v4 =	vand.u32 $0x3FFFE000, v4;
	[tilespmem:$0x3D0] =	vst v0  }
0x3a: {  	v0 =	vor.u32 v5, v4;
	v4 =	vand.u32 $0x1FFF, v3;
	[tilespmem:$0x370] =	vst v14;
	v5 =	vor.u32 v9, v7  }
0x3b: {  	v2 =	vor.u32 v8, v2;
	[tilespmem:$0x380] =	vst v5;
	v5 =	vor.u32 v6, v12;
	v6 =	vand.u32 $0x1FFF, v10  }
0x3c: {  	v1 =	vor.u32 v1, v11;
	[tilespmem:$0x2D0] =	vst v2;
	v2 =	vshrl.u32 v3, $0x2;
	v3 =	vshrl.u32 v13, $0x2  }
0x3d: {  	[tilespmem:$0x2E0] =	vst v1;
	v1 =	vand.u32 $0x3FFFE000, v2;
	v2 =	vand.u32 $0x3FFFE000, v3;
	v3 =	vand.u32 $0x1FFF, v13  }
0x3e: {  	v1 =	vor.u32 v4, v1;
	v2 =	vor.u32 v3, v2;
	[tilespmem:$0x390] =	vst v5;
	v3 =	vshrl.u32 v10, $0x2  }
0x3f: {  	[tilespmem:$0x360] =	vst v2;
	v2 =	vand.u32 $0x3FFFE000, v3  }
0x40: {  	[tilespmem:$0x350] =	vst v1;
	v1 =	vor.u32 v6, v2  }
0x41: {  	[tilespmem:$0x340] =	vst v0  }
0x42: {  	[tilespmem:$0x3F0] =	vst v1  }
0x43: {  	[tilespmem:s13], [sflag:$0x1] =	stream.indirect.gather [hbm4b:s7+s14], $0x80, s15, s14, $0xb8;
	[tilespmem:$0x10400] =	vst v63  }
0x44: {  	_ = 	snop  }
0x45: {  	[tilespmem:s12], [sflag:$0x1] =	stream.indirect.gather [hbm4b:s7+s14], $0x80, s16, s14, $0xb8;
	[tilespmem:$0x10400] =	vst v63  }
0x46: {  	_ = 	snop  }
0x47: {  	[tilespmem:s11], [sflag:$0x1] =	stream.indirect.gather [hbm4b:s7+s14], $0x80, s17, s14, $0xb8;
	[tilespmem:$0x10400] =	vst v63  }
0x48: {  	_ = 	snop  }
0x49: {  	[tilespmem:s9], [sflag:$0x1] =	stream.indirect.gather [hbm4b:s7+s14], $0x80, s18, s14, $0xb8;
	[tilespmem:$0x10400] =	vst v63  }
0x4a: {  	_ =	swait.ge [sflag:s10], $0x4000  }
0x4b: {  	[sflag:s10] =	ssyncset.done $0x0  }
0x4c: {  	[sflag:s10] =	ssyncadd.s32 $0xFFFFC000  }
0x4d: {  	[hbm4b:s8+s2] =	stream.linear.scatter [tilespmem:s13], [sflag:$0x2], $0x4000, $0x38;
	[tilespmem:$0x10400] =	vst v63  }
0x4e: {  	_ =	swait.ge [sflag:s3], $0x4000  }
0x4f: {  	[sflag:s3] =	ssyncset.done $0x0  }
0x50: {  	[sflag:s3] =	ssyncadd.s32 $0xFFFFC000  }
0x51: {  	_ =	swait.ge [sflag:s10], $0x4000  }
0x52: {  	[sflag:s10] =	ssyncset.done $0x0  }
0x53: {  	[sflag:s10] =	ssyncadd.s32 $0xFFFFC000  }
0x54: {  	[hbm4b:s6+s2] =	stream.linear.scatter [tilespmem:s12], [sflag:$0x2], $0x4000, $0x38;
	[tilespmem:$0x10400] =	vst v63  }
0x55: {  	_ =	swait.ge [sflag:s3], $0x4000  }
0x56: {  	[sflag:s3] =	ssyncset.done $0x0  }
0x57: {  	[sflag:s3] =	ssyncadd.s32 $0xFFFFC000  }
0x58: {  	_ =	swait.ge [sflag:s10], $0x4000  }
0x59: {  	[sflag:s10] =	ssyncset.done $0x0  }
0x5a: {  	[sflag:s10] =	ssyncadd.s32 $0xFFFFC000  }
0x5b: {  	[hbm4b:s5+s2] =	stream.linear.scatter [tilespmem:s11], [sflag:$0x2], $0x4000, $0x38;
	[tilespmem:$0x10400] =	vst v63  }
0x5c: {  	_ =	swait.ge [sflag:s3], $0x4000  }
0x5d: {  	[sflag:s3] =	ssyncset.done $0x0  }
0x5e: {  	[sflag:s3] =	ssyncadd.s32 $0xFFFFC000  }
0x5f: {  	_ =	swait.ge [sflag:s10], $0x4000  }
0x60: {  	[sflag:s10] =	ssyncset.done $0x0  }
0x61: {  	[sflag:s10] =	ssyncadd.s32 $0xFFFFC000  }
0x62: {  	[hbm4b:s4+s2] =	stream.linear.scatter [tilespmem:s9], [sflag:$0x2], $0x4000, $0x38;
	[tilespmem:$0x10400] =	vst v63  }
0x63: {  	_ =	swait.ge [sflag:s3], $0x4000  }
0x64: {  	[sflag:s3] =	ssyncset.done $0x0  }
0x65: {  	[sflag:s3] =	ssyncadd.s32 $0xFFFFC000  }
0x66: {  	[tilespmem:s2], [sflag:$0x2] =	stream.linear.gather [hbm4b:s19+s2], $0x200, $0x38;
	[tilespmem:$0x10400] =	vst v63  }
0x67: {  	_ =	swait.ge [sflag:s3], $0x200  }
.Ltmp1:
0x68: {  	[sflag:s3] =	ssyncset.done $0x0;
	(pc) =	sbr.rel @p0 .LBB2_1-.Ltmp1, $4  }
0x69: {  	[sflag:s3] =	ssyncadd.s32 $0xFFFFFE00  }
0x6a: {  	v2 =	vld [tilespmem:$0x1C0]  }
0x6b: {  	v0 =	vld [tilespmem:$0x1D0]  }
0x6c: {  	v1 =	vld [tilespmem:$0x1E0]  }
.LBB2_2:
0x6d: {  	v3 =	vld [tilespmem:$0x1B0]  }
0x6e: {  	v5 =	vld [tilespmem:$0x80]  }
0x6f: {  	v7 =	vld [tilespmem:$0x30]  }
0x70: {  	v8 =	vld [tilespmem:$0x70]  }
0x71: {  	v9 =	vld [tilespmem:$0x60]  }
0x72: {  	v36 =	vld [tilespmem:$0x20]  }
0x73: {  	v11 =	vld [tilespmem:$0xC0]  }
0x74: {  	v12 =	vld [tilespmem:$0x50];
	v4 =	vshrl.u32 v2, $0x2  }
0x75: {  	v13 =	vld [tilespmem:$0x10];
	v31 =	vand.u32 $0x1FFF, v2;
	v4 =	vand.u32 $0x3FFFE000, v4;
	v6 =	vshrl.u32 v0, $0x2  }
0x76: {  	v15 =	vld [tilespmem:$0x90];
	v32 =	vand.u32 $0x1FFF, v0;
	v2 =	vor.u32 v31, v4;
	v33 =	vshrl.u32 v1, $0x2  }
0x77: {  	v17 =	vld [tilespmem:$0x0];
	v6 =	vand.u32 $0x3FFFE000, v6;
	v34 =	vand.u32 $0x1FFF, v1;
	v4 =	vand.u32 $0x3FFFE000, v33  }
0x78: {  	v40 =	vld [tilespmem:$0x40];
	v0 =	vor.u32 v32, v6;
	v35 =	vshrl.u32 v3, $0x2;
	v3 =	vand.u32 $0x1FFF, v3  }
0x79: {  	v46 =	vld [tilespmem:$0xB0];
	v10 =	vshrl.u32 v5, $0x2;
	v5 =	vand.u32 $0x1FFF, v5;
	v37 =	vshrl.u32 v7, $0x2  }
0x7a: {  	v48 =	vld [tilespmem:$0xA0];
	v7 =	vand.u32 $0x1FFF, v7;
	v14 =	vand.u32 $0x1FFF, v8;
	v38 =	vshrl.u32 v9, $0x2  }
0x7b: {  	v49 =	vld [tilespmem:$0x130];
	v8 =	vshrl.u32 v8, $0x2;
	v39 =	vshrl.u32 v36, $0x2;
	v16 =	vand.u32 $0x1FFF, v11  }
0x7c: {  	v55 =	vld [tilespmem:$0x100];
	v18 =	vand.u32 $0x1FFF, v12;
	v41 =	vshrl.u32 v13, $0x2;
	v42 =	vand.u32 $0x1FFF, v9  }
0x7d: {  	v52 =	vld [tilespmem:$0x110];
	v43 =	vshrl.u32 v11, $0x2;
	v45 =	vshrl.u32 v12, $0x2;
	v13 =	vand.u32 $0x1FFF, v13  }
0x7e: {  	v47 =	vand.u32 $0x1FFF, v15;
	v50 =	vshrl.u32 v17, $0x2;
	v51 =	vshrl.u32 v40, $0x2  }
0x7f: {  	v58 =	vld [tilespmem:$0x1A0];
	v54 =	vshrl.u32 v15, $0x2;
	v56 =	vand.u32 $0x1FFF, v17;
	v57 =	vand.u32 $0x1FFF, v46  }
0x80: {  	v61 =	vld [tilespmem:$0xF0];
	v59 =	vshrl.u32 v46, $0x2;
	v60 =	vshrl.u32 v48, $0x2;
	v62 =	vand.u32 $0x1FFF, v48  }
0x81: {  	v21 =	vld [tilespmem:$0xD0];
	[tilespmem:$0x3C0] =	vst v2;
	v63 =	vand.u32 $0x1FFF, v49;
	v23 =	vshrl.u32 v55, $0x2;
	v24 =	vand.u32 $0x1FFF, v55  }
0x82: {  	v22 =	vld [tilespmem:$0x120];
	v25 =	vshrl.u32 v52, $0x2;
	v1 =	vor.u32 v34, v4;
	v6 =	vand.u32 $0x3FFFE000, v35;
	[tilespmem:$0x3D0] =	vst v0  }
0x83: {  	v26 =	vand.u32 $0x1FFF, v52;
	v10 =	vand.u32 $0x3FFFE000, v10;
	v3 =	vor.u32 v3, v6;
	[tilespmem:$0x3E0] =	vst v1  }
0x84: {  	v28 =	vshrl.u32 v58, $0x2;
	v8 =	vand.u32 $0x3FFFE000, v8;
	v5 =	vor.u32 v5, v10;
	[tilespmem:$0x3B0] =	vst v3  }
0x85: {  	v29 =	vshrl.u32 v61, $0x2;
	v9 =	vand.u32 $0x3FFFE000, v43;
	v8 =	vor.u32 v14, v8;
	[tilespmem:$0x280] =	vst v5  }
0x86: {  	v31 =	vshrl.u32 v21, $0x2;
	v44 =	vand.u32 $0x3FFFE000, v41;
	v9 =	vor.u32 v16, v9;
	[tilespmem:$0x270] =	vst v8  }
0x87: {  	v32 =	vand.u32 $0x1FFF, v22;
	v6 =	vand.u32 $0x3FFFE000, v37;
	v11 =	vor.u32 v13, v44;
	[tilespmem:$0x2C0] =	vst v9  }
0x88: {  	v27 =	vld [tilespmem:$0x180];
	v4 =	vand.u32 $0x1FFF, v36;
	v10 =	vand.u32 $0x3FFFE000, v39;
	v6 =	vor.u32 v7, v6;
	[tilespmem:$0x210] =	vst v11  }
0x89: {  	v30 =	vld [tilespmem:$0xE0];
	v53 =	vand.u32 $0x3FFFE000, v51;
	v7 =	vand.u32 $0x3FFFE000, v38;
	v4 =	vor.u32 v4, v10;
	[tilespmem:$0x230] =	vst v6  }
0x8a: {  	v12 =	vand.u32 $0x3FFFE000, v60;
	v10 =	vand.u32 $0x1FFF, v40;
	v1 =	vor.u32 v42, v7;
	[tilespmem:$0x220] =	vst v4  }
0x8b: {  	v34 =	vand.u32 $0x1FFF, v61;
	v3 =	vand.u32 $0x3FFFE000, v45;
	v2 =	vor.u32 v10, v53;
	[tilespmem:$0x260] =	vst v1  }
0x8c: {  	v15 =	vand.u32 $0x3FFFE000, v31;
	v9 =	vand.u32 $0x3FFFE000, v59;
	v3 =	vor.u32 v18, v3;
	[tilespmem:$0x240] =	vst v2  }
0x8d: {  	v36 =	vand.u32 $0x1FFF, v21;
	v7 =	vand.u32 $0x3FFFE000, v50;
	v8 =	vor.u32 v57, v9;
	[tilespmem:$0x250] =	vst v3  }
0x8e: {  	v41 =	vshrl.u32 v27, $0x2;
	v43 =	vshrl.u32 v30, $0x2;
	v7 =	vor.u32 v56, v7;
	[tilespmem:$0x2B0] =	vst v8  }
0x8f: {  	v33 =	vld [tilespmem:$0x190];
	v37 =	vand.u32 $0x1FFF, v27;
	v4 =	vand.u32 $0x3FFFE000, v54;
	v1 =	vor.u32 v62, v12;
	[tilespmem:$0x200] =	vst v7  }
0x90: {  	v46 =	vld [tilespmem:$0x150];
	v6 =	vshrl.u32 v49, $0x2;
	v10 =	vand.u32 $0x3FFFE000, v41;
	v4 =	vor.u32 v47, v4;
	[tilespmem:$0x2A0] =	vst v1  }
0x91: {  	v13 =	vand.u32 $0x3FFFE000, v29;
	v6 =	vand.u32 $0x3FFFE000, v6;
	v53 =	vor.u32 v37, v10;
	[tilespmem:$0x290] =	vst v4  }
0x92: {  	v35 =	vld [tilespmem:$0x170];
	v39 =	vand.u32 $0x3FFFE000, v28;
	v40 =	vand.u32 $0x1FFF, v58;
	v6 =	vor.u32 v63, v6;
	[tilespmem:$0x380] =	vst v53  }
0x93: {  	v9 =	vand.u32 $0x3FFFE000, v25;
	v3 =	vand.u32 $0x3FFFE000, v23;
	v4 =	vor.u32 v34, v13;
	[tilespmem:$0x330] =	vst v6  }
0x94: {  	v51 =	vld [tilespmem:$0x1F0];
	v2 =	vshrl.u32 v22, $0x2;
	v42 =	vand.u32 $0x1FFF, v33;
	v3 =	vor.u32 v24, v3;
	[tilespmem:$0x2F0] =	vst v4  }
0x95: {  	v44 =	vld [tilespmem:$0x160];
	v47 =	vshrl.u32 v33, $0x2;
	v56 =	vshrl.u32 v46, $0x2;
	v7 =	vor.u32 v26, v9;
	[tilespmem:$0x300] =	vst v3  }
0x96: {  	v59 =	vand.u32 $0x1FFF, v46;
	v2 =	vand.u32 $0x3FFFE000, v2;
	[tilespmem:$0x310] =	vst v7;
	v3 =	vor.u32 v40, v39  }
0x97: {  	v38 =	vld [tilespmem:$0x140];
	v45 =	vshrl.u32 v35, $0x2;
	v49 =	vand.u32 $0x1FFF, v35;
	v2 =	vor.u32 v32, v2;
	[tilespmem:$0x3A0] =	vst v3  }
0x98: {  	v50 =	vand.u32 $0x3FFFE000, v47;
	v1 =	vand.u32 $0x1FFF, v30;
	v6 =	vor.u32 v36, v15;
	[tilespmem:$0x320] =	vst v2  }
0x99: {  	v62 =	vshrl.u32 v51, $0x2;
	v48 =	vand.u32 $0x3FFFE000, v45;
	v0 =	vor.u32 v42, v50;
	[tilespmem:$0x2D0] =	vst v6  }
0x9a: {  	v7 =	vand.u32 $0x3FFFE000, v43;
	v55 =	vshrl.u32 v44, $0x2;
	v2 =	vor.u32 v49, v48;
	[tilespmem:$0x390] =	vst v0  }
0x9b: {  	v58 =	vand.u32 $0x1FFF, v44;
	v1 =	vor.u32 v1, v7;
	v57 =	vand.u32 $0x3FFFE000, v55;
	[tilespmem:$0x370] =	vst v2  }
0x9c: {  	v52 =	vshrl.u32 v38, $0x2;
	v6 =	vand.u32 $0x3FFFE000, v56;
	[tilespmem:$0x2E0] =	vst v1;
	v1 =	vor.u32 v58, v57  }
0x9d: {  	v60 =	vand.u32 $0x1FFF, v38;
	v54 =	vand.u32 $0x3FFFE000, v52;
	v61 =	vor.u32 v59, v6;
	[tilespmem:$0x360] =	vst v1  }
0x9e: {  	v63 =	vand.u32 $0x1FFF, v51;
	v3 =	vand.u32 $0x3FFFE000, v62;
	v0 =	vor.u32 v60, v54;
	[tilespmem:$0x350] =	vst v61  }
0x9f: {  	v1 =	vor.u32 v63, v3;
	[tilespmem:$0x340] =	vst v0  }
0xa0: {  	[tilespmem:$0x3F0] =	vst v1  }
0xa1: {  	[tilespmem:s13], [sflag:$0x1] =	stream.indirect.gather [hbm4b:s7+s14], $0x80, s15, s14, $0xb8;
	[tilespmem:$0x10400] =	vst v63  }
0xa2: {  	_ = 	snop  }
0xa3: {  	[tilespmem:s12], [sflag:$0x1] =	stream.indirect.gather [hbm4b:s7+s14], $0x80, s16, s14, $0xb8;
	[tilespmem:$0x10400] =	vst v63  }
0xa4: {  	_ = 	snop  }
0xa5: {  	[tilespmem:s11], [sflag:$0x1] =	stream.indirect.gather [hbm4b:s7+s14], $0x80, s17, s14, $0xb8;
	[tilespmem:$0x10400] =	vst v63  }
0xa6: {  	_ = 	snop  }
0xa7: {  	[tilespmem:s9], [sflag:$0x1] =	stream.indirect.gather [hbm4b:s7+s14], $0x80, s18, s14, $0xb8;
	[tilespmem:$0x10400] =	vst v63  }
0xa8: {  	_ =	swait.ge [sflag:s10], $0x4000  }
0xa9: {  	[sflag:s10] =	ssyncset.done $0x0  }
0xaa: {  	[sflag:s10] =	ssyncadd.s32 $0xFFFFC000  }
0xab: {  	[hbm4b:s8+s2] =	stream.linear.scatter [tilespmem:s13], [sflag:$0x2], $0x4000, $0x38;
	[tilespmem:$0x10400] =	vst v63  }
0xac: {  	_ =	swait.ge [sflag:s3], $0x4000  }
0xad: {  	[sflag:s3] =	ssyncset.done $0x0  }
0xae: {  	[sflag:s3] =	ssyncadd.s32 $0xFFFFC000  }
0xaf: {  	_ =	swait.ge [sflag:s10], $0x4000  }
0xb0: {  	[sflag:s10] =	ssyncset.done $0x0  }
0xb1: {  	[sflag:s10] =	ssyncadd.s32 $0xFFFFC000  }
0xb2: {  	[hbm4b:s6+s2] =	stream.linear.scatter [tilespmem:s12], [sflag:$0x2], $0x4000, $0x38;
	[tilespmem:$0x10400] =	vst v63  }
0xb3: {  	_ =	swait.ge [sflag:s3], $0x4000  }
0xb4: {  	[sflag:s3] =	ssyncset.done $0x0  }
0xb5: {  	[sflag:s3] =	ssyncadd.s32 $0xFFFFC000  }
0xb6: {  	_ =	swait.ge [sflag:s10], $0x4000  }
0xb7: {  	[sflag:s10] =	ssyncset.done $0x0  }
0xb8: {  	[sflag:s10] =	ssyncadd.s32 $0xFFFFC000  }
0xb9: {  	[hbm4b:s5+s2] =	stream.linear.scatter [tilespmem:s11], [sflag:$0x2], $0x4000, $0x38;
	[tilespmem:$0x10400] =	vst v63  }
0xba: {  	_ =	swait.ge [sflag:s3], $0x4000  }
0xbb: {  	[sflag:s3] =	ssyncset.done $0x0  }
0xbc: {  	[sflag:s3] =	ssyncadd.s32 $0xFFFFC000  }
0xbd: {  	_ =	swait.ge [sflag:s10], $0x4000  }
0xbe: {  	[sflag:s10] =	ssyncset.done $0x0  }
0xbf: {  	[sflag:s10] =	ssyncadd.s32 $0xFFFFC000  }
0xc0: {  	[hbm4b:s4+s2] =	stream.linear.scatter [tilespmem:s9], [sflag:$0x2], $0x4000, $0x38;
	[tilespmem:$0x10400] =	vst v63  }
0xc1: {  	_ =	swait.ge [sflag:s3], $0x4000  }
0xc2: {  	[sflag:s3] =	ssyncset.done $0x0  }
0xc3: {  	[sflag:s3] =	ssyncadd.s32 $0xFFFFC000  }
0xc4: {  	_ =	sfence.sel $0x180000  }
0xc5: {  	[bflag:$0x0] =	sbarrier.arrive $0xFFFF  }
0xc6: {  	p0 =	sne.s32 s1, $0x0;
	_ =	strace $0x90000047  }
0xc7: {  	s0 =	sadd.s32 @!p0 $0x100000, s0;
	[bflag:$0x2] =	sbarrier.arrive $0xFFFF  }
0xc8: {  	[sflag:s0] =	ssyncadd.tile.s32 @!p0 $0x1;
	_ =	shalt  }
.Lfunc_end2:
_tile_overlayer_lowered:
.L_overlay_start_2:
0xc9: {  	(tag) =	ssettag $0x2  }
0xca: {  	s0 =	rddreg [dreg:$0x0];
	s2 =	stileid.u32  }
0xcb: {  	s1 =	rddreg [dreg:$0x1];
	p0 =	sne.s32 s2, $0x0  }
0xcc: {  	s3 =	rddreg [dreg:$0x2];
	[bflag:$0x3] =	sbarrier.arrive $0xFFFF;
	s2 =	simm.s32 @!p0 $0x1C02  }
0xcd: {  	[timem:s3], [sflag:s2] =	dma.local @!p0 [hbm:s0], s1  }
0xce: {  	s0 =	simm.s32 @!p0 $0x2  }
0xcf: {  	_ =	swait.ge @!p0 [sflag:s0], s1  }
0xd0: {  	s1 =	ssub.s32 @!p0 $0x0, s1;
	[sflag:s0] =	ssyncset.done @!p0 $0x0  }
0xd1: {  	[sflag:s0] =	ssyncadd.s32 @!p0 s1  }
0xd2: {  	[bflag:$0x3] =	sbarrier.arrive $0xFFFF  }
0xd3: {  	_ =	shalt  }

</sc_bundles>
